<compile_context>
chip_gen: v7x
topology: tpu7x:2x2x1
jax: 0.10.2.dev20260603
libtpu: 0.0.44.dev20260713+nightly
codegen_flags: <defaults>
</compile_context>

<pallas_src>
import functools

import jax
import jax.numpy as jnp
from jax import lax
from jax.experimental import pallas as pl
from jax.experimental.pallas import tpu as pltpu
from jax.experimental.pallas import tpu_sc as plsc

N = 10000
E = 320000
D = 128
H = 8
B = 64
C = 10
L = 12
T = 12

NC = 2
NS = 16
NW = NC * NS
CH = 128
EROWS = (E + NW * CH - 1) // (NW * CH) * NW
EPAD = EROWS * CH
RPW = EROWS // NW
NPAD = 10240
RPT = NPAD // NS


def _proj_body(x_ref, wrel_ref, wroott_ref, xr_ref, xroott_ref):
    xb = x_ref[...]
    xr_ref[...] = jnp.dot(xb, wrel_ref[...], preferred_element_type=jnp.float32)
    xroott_ref[...] = lax.dot_general(
        wroott_ref[...], xb, (((1,), (1,)), ((), ())),
        preferred_element_type=jnp.float32)


def _project(x, Wrel, Wroot):
    return pl.pallas_call(
        _proj_body,
        out_shape=[
            jax.ShapeDtypeStruct((N, H), jnp.float32),
            jax.ShapeDtypeStruct((H, N), jnp.float32),
        ],
    )(x, Wrel, Wroot.T)


def _sc_scatter_body(src_hbm, dst_hbm, xr_hbm, zer_hbm, out_hbm,
                     sidx, didx, rows, stage, agg_sh, sem):
    cid = lax.axis_index("c")
    sid = lax.axis_index("s")

    pltpu.sync_copy(zer_hbm, stage)
    pltpu.sync_copy(stage, agg_sh.at[pl.ds(sid * RPT, RPT)])

    row0 = (cid * NS + sid) * RPW
    pltpu.sync_copy(src_hbm.at[pl.ds(row0, RPW)], sidx)
    pltpu.sync_copy(dst_hbm.at[pl.ds(row0, RPW)], didx)

    @pl.loop(0, RPW)
    def _(j):
        pltpu.async_copy(xr_hbm.at[sidx.at[j]], rows.at[j], sem)

    @pl.loop(0, RPW)
    def _(j):
        pltpu.make_async_copy(xr_hbm.at[sidx.at[j]], rows.at[j], sem).wait()

    plsc.subcore_barrier()

    @pl.loop(0, RPW)
    def _(j):
        pltpu.async_copy(rows.at[j], agg_sh.at[didx.at[j]], sem, add=True)

    @pl.loop(0, RPW)
    def _(j):
        pltpu.make_async_copy(rows.at[j], agg_sh.at[didx.at[j]], sem).wait()

    plsc.subcore_barrier()
    pltpu.sync_copy(agg_sh.at[pl.ds(sid * RPT, RPT)], stage)
    pltpu.sync_copy(stage, out_hbm.at[cid, pl.ds(sid * RPT, RPT)])


@functools.lru_cache(maxsize=1)
def _sc_scatter_kernel():
    return pl.kernel(
        _sc_scatter_body,
        out_type=jax.ShapeDtypeStruct((NC, NPAD, H), jnp.float32),
        mesh=plsc.VectorSubcoreMesh(core_axis_name="c", subcore_axis_name="s",
                                    num_cores=NC, num_subcores=NS),
        compiler_params=pltpu.CompilerParams(use_tc_tiling_on_sc=False),
        scratch_types=[
            pltpu.VMEM((RPW, CH), jnp.int32),
            pltpu.VMEM((RPW, CH), jnp.int32),
            pltpu.VMEM((RPW, CH, H), jnp.float32),
            pltpu.VMEM((RPT, H), jnp.float32),
            pltpu.VMEM_SHARED((NPAD, H), jnp.float32),
            pltpu.SemaphoreType.DMA,
        ],
    )


def _dot(x, y, dims):
    return lax.dot_general(x, y, (dims, ((), ())),
                           preferred_element_type=jnp.float32)


def _s2s_body(agg_ref, xroott_ref, batch_ref, brel_ref,
              wcat0_ref, wcatr_ref, bsum_ref,
              w1_ref, b1_ref, w2_ref, b2_ref, out_ref):
    NP = NPAD
    sum2 = agg_ref[0] + agg_ref[1]
    xroott = jnp.concatenate(
        [xroott_ref[...] + brel_ref[...],
         jnp.zeros((H, NP - N), jnp.float32)], axis=1)
    h_nodet = jnp.transpose(sum2) + xroott
    haug = jnp.concatenate(
        [h_nodet, jnp.ones((1, NP), jnp.float32)], axis=0)
    batch = jnp.concatenate(
        [batch_ref[...], jnp.full((1, NP - N), B, jnp.int32)], axis=1)
    gid = lax.broadcasted_iota(jnp.int32, (B, NP), 0)
    seg = gid == batch
    segf = seg.astype(jnp.float32)
    segft = jnp.transpose(segf)
    valid = (lax.broadcasted_iota(jnp.int32, (1, NP), 1)
             < N).astype(jnp.float32)

    wcat0 = wcat0_ref[...]
    wcatr = wcatr_ref[...]
    bsum = bsum_ref[...]

    neg_inf = jnp.float32(-jnp.inf)

    def tstep(_, carry):
        q_star, h, c = carry
        xs = q_star
        hs, cs = [], []
        for l in range(L):
            wcat = wcat0 if l == 0 else wcatr[l - 1]
            inp = jnp.concatenate([xs, h[l]], axis=1)
            gates = _dot(inp, wcat, ((1,), (0,))) + bsum[l][None, :]
            i_g = jax.nn.sigmoid(gates[:, 0 * H:1 * H])
            f_g = jax.nn.sigmoid(gates[:, 1 * H:2 * H])
            g_g = jnp.tanh(gates[:, 2 * H:3 * H])
            o_g = jax.nn.sigmoid(gates[:, 3 * H:4 * H])
            c_l = f_g * c[l] + i_g * g_g
            h_l = o_g * jnp.tanh(c_l)
            hs.append(h_l)
            cs.append(c_l)
            xs = h_l
        q = xs

        qt = jnp.transpose(q)
        qnt = _dot(qt, segf, ((1,), (0,)))
        e = jnp.sum(h_nodet * qnt, axis=0, keepdims=True)
        em = jnp.where(seg, e, neg_inf)
        m = jnp.max(em, axis=1, keepdims=True)
        m0t = jnp.transpose(jnp.where(m == neg_inf, 0.0, m))
        mn = _dot(m0t, segf, ((1,), (0,)))
        ex = jnp.exp(e - mn) * valid
        rden = _dot(ex * haug, segft, ((1,), (0,)))
        r = jnp.transpose(rden[:H] / (rden[H:] + 1e-16))
        q_star = jnp.concatenate([q, r], axis=1)
        return q_star, tuple(hs), tuple(cs)

    q_star, _, _ = lax.fori_loop(
        0, T, tstep,
        (jnp.zeros((B, 2 * H), jnp.float32),
         tuple(jnp.zeros((B, H), jnp.float32) for _ in range(L)),
         tuple(jnp.zeros((B, H), jnp.float32) for _ in range(L))))

    o1 = jnp.maximum(
        jnp.dot(q_star, w1_ref[...], preferred_element_type=jnp.float32)
        + b1_ref[...], 0.0)
    o2 = (jnp.dot(o1, w2_ref[...], preferred_element_type=jnp.float32)
          + b2_ref[...])
    mx = jnp.max(o2, axis=1, keepdims=True)
    lse = mx + jnp.log(jnp.sum(jnp.exp(o2 - mx), axis=1, keepdims=True))
    out_ref[...] = o2 - lse


def _set2set(agg, xroot, batch2d, brel2d, wcat0, wcatr, bsum,
             W1, b12d, W2, b22d):
    return pl.pallas_call(
        _s2s_body,
        out_shape=jax.ShapeDtypeStruct((B, C), jnp.float32),
    )(agg, xroot, batch2d, brel2d, wcat0, wcatr, bsum,
      W1, b12d, W2, b22d)


def kernel(x, edge_index, batch, Wrel, brel, Wroot, W_ih0, W_ih_rest, W_hh,
           b_ih, b_hh, W1, b1, W2, b2):
    xr, xroott = _project(x, Wrel, Wroot)
    zer = jnp.zeros((RPT, H), jnp.float32)
    npd = EPAD - E
    src2 = jnp.concatenate(
        [edge_index[0],
         jnp.arange(npd, dtype=jnp.int32) % N]).reshape(EROWS, CH)
    dst2 = jnp.concatenate(
        [edge_index[1],
         N + jnp.arange(npd, dtype=jnp.int32) % (NPAD - N)]).reshape(EROWS, CH)
    agg = _sc_scatter_kernel()(src2, dst2, xr, zer)
    wcat0 = jnp.concatenate([W_ih0.T, W_hh[0].T], axis=0)
    wcatr = jnp.concatenate(
        [jnp.transpose(W_ih_rest, (0, 2, 1)),
         jnp.transpose(W_hh[1:], (0, 2, 1))], axis=1)
    out = _set2set(
        agg, xroott,
        batch.reshape(1, N),
        brel.reshape(H, 1),
        wcat0, wcatr, b_ih + b_hh,
        W1, b1.reshape(1, 2 * H), W2, b2.reshape(1, C),
    )
    return out

# --- scband reference (transcript-rebuilt; emitter-appended) ---
"""Pipeline reference for scband-action-predictor-47107201302767 (READ-ONLY COPY).

The authoritative reference and input builder live on the scoring server;
editing this copy changes nothing except your own understanding.
"""

import jax, jax.numpy as jnp
import numpy as np

N = 10000
E = 320000
D = 128
H = 8
B = 64
C = 10
L = 12
T = 12

def setup_inputs(seed: int = 0):
    key = jax.random.key(seed)
    ks = jax.random.split(key, 16)
    def nrm(k, shape, fan_in):
        return jax.random.normal(k, shape, dtype=jnp.float32) / np.sqrt(fan_in)
    x = jax.random.normal(ks[0], (N, D), dtype=jnp.float32)
    edge_index = jax.random.randint(ks[1], (2, E), 0, N, dtype=jnp.int32)
    batch = jnp.sort(jax.random.randint(ks[2], (N,), 0, B, dtype=jnp.int32))
    Wrel = nrm(ks[3], (D, H), D)
    brel = jnp.zeros((H,), jnp.float32)
    Wroot = nrm(ks[4], (D, H), D)
    W_ih0 = nrm(ks[5], (4 * H, 2 * H), 2 * H)
    W_ih_rest = nrm(ks[6], (L - 1, 4 * H, H), H)
    W_hh = nrm(ks[7], (L, 4 * H, H), H)
    b_ih = jnp.zeros((L, 4 * H), jnp.float32)
    b_hh = jnp.zeros((L, 4 * H), jnp.float32)
    W1 = nrm(ks[8], (2 * H, 2 * H), 2 * H)
    b1 = jnp.zeros((2 * H,), jnp.float32)
    W2 = nrm(ks[9], (2 * H, C), 2 * H)
    b2 = jnp.zeros((C,), jnp.float32)
    return {"x": x, "edge_index": edge_index, "batch": batch, "Wrel": Wrel, "brel": brel, "Wroot": Wroot, "W_ih0": W_ih0, "W_ih_rest": W_ih_rest, "W_hh": W_hh, "b_ih": b_ih, "b_hh": b_hh, "W1": W1, "b1": b1, "W2": W2, "b2": b2}

def reference(x, edge_index, batch, Wrel, brel, Wroot, W_ih0, W_ih_rest, W_hh, b_ih, b_hh, W1, b1, W2, b2):
    # GraphConv(D, H, aggr='add'): out = lin_rel(scatter_add(x[src] -> dst)) + lin_root(x)
    src = edge_index[0]
    dst = edge_index[1]
    agg = jnp.zeros((N, D), x.dtype).at[dst].add(x[src])
    h_node = agg @ Wrel + brel + x @ Wroot

    def lstm_step(inp, h, c):
        xs = inp
        new_h = []
        new_c = []
        for l in range(L):
            W_ih = W_ih0 if l == 0 else W_ih_rest[l - 1]
            gates = xs @ W_ih.T + b_ih[l] + h[l] @ W_hh[l].T + b_hh[l]
            i_g, f_g, g_g, o_g = jnp.split(gates, 4, axis=-1)
            i_g = jax.nn.sigmoid(i_g)
            f_g = jax.nn.sigmoid(f_g)
            g_g = jnp.tanh(g_g)
            o_g = jax.nn.sigmoid(o_g)
            c_l = f_g * c[l] + i_g * g_g
            h_l = o_g * jnp.tanh(c_l)
            new_h.append(h_l)
            new_c.append(c_l)
            xs = h_l
        return xs, jnp.stack(new_h), jnp.stack(new_c)

    # Set2Set(H, processing_steps=12, num_layers=12)
    h = jnp.zeros((L, B, H), jnp.float32)
    c = jnp.zeros((L, B, H), jnp.float32)
    q_star = jnp.zeros((B, 2 * H), jnp.float32)
    for _ in range(T):
        q, h, c = lstm_step(q_star, h, c)
        e = jnp.sum(h_node * q[batch], axis=-1)
        m = jax.lax.stop_gradient(jax.ops.segment_max(e, batch, num_segments=B))
        m = jnp.where(jnp.isfinite(m), m, 0.0)
        ex = jnp.exp(e - m[batch])
        denom = jax.ops.segment_sum(ex, batch, num_segments=B)
        a = ex / (denom[batch] + 1e-16)
        r = jax.ops.segment_sum(a[:, None] * h_node, batch, num_segments=B)
        q_star = jnp.concatenate([q, r], axis=-1)

    out = jax.nn.relu(q_star @ W1 + b1)
    # dropout(p=0.5) treated as identity (eval-mode reference)
    out = out @ W2 + b2
    return jax.nn.log_softmax(out, axis=-1)

if __name__ == "__main__":
    import jax
    _d = setup_inputs()
    print(jax.jit(kernel)(*tuple(_d.values())))

</pallas_src>

<mosaic_0001>
#map = affine_map<(d0, d1) -> (0, 0)>
#map1 = affine_map<(d0, d1) -> (0, 0, 0)>
module attributes {stable_mosaic.version = 14 : i64} {
  func.func @_sc_scatter_body(%arg0: i32, %arg1: i32, %arg2: memref<2528x128xi32, #tpu.memory_space<hbm>>, %arg3: memref<2528x128xi32, #tpu.memory_space<hbm>>, %arg4: memref<10000x8xf32, #tpu.memory_space<hbm>>, %arg5: memref<640x8xf32, #tpu.memory_space<hbm>>, %arg6: memref<2x10240x8xf32, #tpu.memory_space<hbm>>, %arg7: memref<79x128xi32, #tpu.memory_space<vmem>>, %arg8: memref<79x128xi32, #tpu.memory_space<vmem>>, %arg9: memref<79x128x8xf32, #tpu.memory_space<vmem>>, %arg10: memref<640x8xf32, #tpu.memory_space<vmem>>, %arg11: memref<10240x8xf32, #tpu.memory_space<vmem_shared>>, %arg12: memref<!tpu.dma_semaphore, #tpu.memory_space<semaphore_mem>>) attributes {dimension_semantics = [#tpu.dimension_semantics<core_parallel>, #tpu.dimension_semantics<subcore_parallel>], iteration_bounds = array<i64: 2, 16>, scalar_prefetch = 0 : i64, scratch_operands = 6 : i64, tpu.core_type = #tpu.core_type<sc_vector_subcore>, window_params = [{transform_indices = #map}, {transform_indices = #map}, {transform_indices = #map}, {transform_indices = #map}, {transform_indices = #map1}]} {
    "tpu.region"() ({
      %run_scoped3A = tpu.sem_alloc : memref<!tpu.dma_semaphore, #tpu.memory_space<semaphore_mem>>
      tpu.enqueue_dma source(%arg5 : memref<640x8xf32, #tpu.memory_space<hbm>>) target(%arg10 : memref<640x8xf32, #tpu.memory_space<vmem>>) target_semaphore(%run_scoped3A : memref<!tpu.dma_semaphore, #tpu.memory_space<semaphore_mem>>)
      tpu.wait_dma2 semaphore(%run_scoped3A : memref<!tpu.dma_semaphore, #tpu.memory_space<semaphore_mem>>) src(%arg5 : memref<640x8xf32, #tpu.memory_space<hbm>>) dst(%arg10 : memref<640x8xf32, #tpu.memory_space<vmem>>)
      tpu.yield
    }) : () -> ()
    %mul3A = arith.constant 640 : i32
    %mul3A_0 = arith.muli %arg1, %mul3A : i32
    "tpu.region"() ({
      %run_scoped3A = tpu.sem_alloc : memref<!tpu.dma_semaphore, #tpu.memory_space<semaphore_mem>>
      %dma_start3A = arith.constant 0 : i32
      %dma_start3A_29 = tpu.memref_slice %arg11[%mul3A_0, %dma_start3A] : memref<10240x8xf32, #tpu.memory_space<vmem_shared>> -> memref<640x8xf32, #tpu.memory_space<vmem_shared>>
      %dma_start3A_30 = arith.constant 0 : i32
      %dma_start3A_31 = tpu.memref_slice %arg11[%mul3A_0, %dma_start3A_30] : memref<10240x8xf32, #tpu.memory_space<vmem_shared>> -> memref<640x8xf32, #tpu.memory_space<vmem_shared>>
      tpu.enqueue_dma source(%arg10 : memref<640x8xf32, #tpu.memory_space<vmem>>) target(%dma_start3A_31 : memref<640x8xf32, #tpu.memory_space<vmem_shared>>) target_semaphore(%run_scoped3A : memref<!tpu.dma_semaphore, #tpu.memory_space<semaphore_mem>>)
      %dma_wait3A = arith.constant 0 : i32
      %dma_wait3A_32 = tpu.memref_slice %arg11[%mul3A_0, %dma_wait3A] : memref<10240x8xf32, #tpu.memory_space<vmem_shared>> -> memref<640x8xf32, #tpu.memory_space<vmem_shared>>
      %dma_wait3A_33 = arith.constant 0 : i32
      %dma_wait3A_34 = tpu.memref_slice %arg11[%mul3A_0, %dma_wait3A_33] : memref<10240x8xf32, #tpu.memory_space<vmem_shared>> -> memref<640x8xf32, #tpu.memory_space<vmem_shared>>
      tpu.wait_dma2 semaphore(%run_scoped3A : memref<!tpu.dma_semaphore, #tpu.memory_space<semaphore_mem>>) src(%arg10 : memref<640x8xf32, #tpu.memory_space<vmem>>) dst(%dma_wait3A_34 : memref<640x8xf32, #tpu.memory_space<vmem_shared>>)
      tpu.yield
    }) : () -> ()
    %mul3A_1 = arith.constant 16 : i32
    %mul3A_2 = arith.muli %arg0, %mul3A_1 : i32
    %add3A = arith.addi %mul3A_2, %arg1 : i32
    %mul3A_3 = arith.constant 79 : i32
    %mul3A_4 = arith.muli %add3A, %mul3A_3 : i32
    "tpu.region"() ({
      %run_scoped3A = tpu.sem_alloc : memref<!tpu.dma_semaphore, #tpu.memory_space<semaphore_mem>>
      %dma_start3A = arith.constant 0 : i32
      %dma_start3A_29 = tpu.memref_slice %arg2[%mul3A_4, %dma_start3A] : memref<2528x128xi32, #tpu.memory_space<hbm>> -> memref<79x128xi32, #tpu.memory_space<hbm>>
      %dma_start3A_30 = arith.constant 0 : i32
      %dma_start3A_31 = tpu.memref_slice %arg2[%mul3A_4, %dma_start3A_30] : memref<2528x128xi32, #tpu.memory_space<hbm>> -> memref<79x128xi32, #tpu.memory_space<hbm>>
      tpu.enqueue_dma source(%dma_start3A_31 : memref<79x128xi32, #tpu.memory_space<hbm>>) target(%arg7 : memref<79x128xi32, #tpu.memory_space<vmem>>) target_semaphore(%run_scoped3A : memref<!tpu.dma_semaphore, #tpu.memory_space<semaphore_mem>>)
      %dma_wait3A = arith.constant 0 : i32
      %dma_wait3A_32 = tpu.memref_slice %arg2[%mul3A_4, %dma_wait3A] : memref<2528x128xi32, #tpu.memory_space<hbm>> -> memref<79x128xi32, #tpu.memory_space<hbm>>
      %dma_wait3A_33 = arith.constant 0 : i32
      %dma_wait3A_34 = tpu.memref_slice %arg2[%mul3A_4, %dma_wait3A_33] : memref<2528x128xi32, #tpu.memory_space<hbm>> -> memref<79x128xi32, #tpu.memory_space<hbm>>
      tpu.wait_dma2 semaphore(%run_scoped3A : memref<!tpu.dma_semaphore, #tpu.memory_space<semaphore_mem>>) src(%dma_wait3A_34 : memref<79x128xi32, #tpu.memory_space<hbm>>) dst(%arg7 : memref<79x128xi32, #tpu.memory_space<vmem>>)
      tpu.yield
    }) : () -> ()
    "tpu.region"() ({
      %run_scoped3A = tpu.sem_alloc : memref<!tpu.dma_semaphore, #tpu.memory_space<semaphore_mem>>
      %dma_start3A = arith.constant 0 : i32
      %dma_start3A_29 = tpu.memref_slice %arg3[%mul3A_4, %dma_start3A] : memref<2528x128xi32, #tpu.memory_space<hbm>> -> memref<79x128xi32, #tpu.memory_space<hbm>>
      %dma_start3A_30 = arith.constant 0 : i32
      %dma_start3A_31 = tpu.memref_slice %arg3[%mul3A_4, %dma_start3A_30] : memref<2528x128xi32, #tpu.memory_space<hbm>> -> memref<79x128xi32, #tpu.memory_space<hbm>>
      tpu.enqueue_dma source(%dma_start3A_31 : memref<79x128xi32, #tpu.memory_space<hbm>>) target(%arg8 : memref<79x128xi32, #tpu.memory_space<vmem>>) target_semaphore(%run_scoped3A : memref<!tpu.dma_semaphore, #tpu.memory_space<semaphore_mem>>)
      %dma_wait3A = arith.constant 0 : i32
      %dma_wait3A_32 = tpu.memref_slice %arg3[%mul3A_4, %dma_wait3A] : memref<2528x128xi32, #tpu.memory_space<hbm>> -> memref<79x128xi32, #tpu.memory_space<hbm>>
      %dma_wait3A_33 = arith.constant 0 : i32
      %dma_wait3A_34 = tpu.memref_slice %arg3[%mul3A_4, %dma_wait3A_33] : memref<2528x128xi32, #tpu.memory_space<hbm>> -> memref<79x128xi32, #tpu.memory_space<hbm>>
      tpu.wait_dma2 semaphore(%run_scoped3A : memref<!tpu.dma_semaphore, #tpu.memory_space<semaphore_mem>>) src(%dma_wait3A_34 : memref<79x128xi32, #tpu.memory_space<hbm>>) dst(%arg8 : memref<79x128xi32, #tpu.memory_space<vmem>>)
      tpu.yield
    }) : () -> ()
    %scan3A = arith.constant 0 : i32
    %scan3A_5 = arith.constant 79 : i32
    %scan3A_6 = arith.addi %scan3A, %scan3A_5 : i32
    %scan3A_7 = arith.constant 1 : i32
    scf.for %scan3A_29 = %scan3A to %scan3A_6 step %scan3A_7  : i32 {
      %mul3A_30 = arith.constant 1 : i32
      %mul3A_31 = arith.muli %scan3A_29, %mul3A_30 : i32
      %add3A_32 = arith.constant 0 : i32
      %add3A_33 = arith.addi %add3A_32, %mul3A_31 : i32
      %dma_start3A = arith.constant 0 : i32
      %dma_start3A_34 = arith.constant 0 : i32
      %dma_start3A_35 = tpu.memref_slice %arg9[%add3A_33, %dma_start3A, %dma_start3A_34] : memref<79x128x8xf32, #tpu.memory_space<vmem>> -> memref<1x128x8xf32, #tpu.memory_space<vmem>>
      %dma_start3A_36 = tpu.memref_squeeze %dma_start3A_35 : memref<1x128x8xf32, #tpu.memory_space<vmem>> -> memref<128x8xf32, #tpu.memory_space<vmem>>
      %dma_start3A_37 = arith.constant 0 : i32
      %dma_start3A_38 = tpu.memref_slice %arg7[%add3A_33, %dma_start3A_37] : memref<79x128xi32, #tpu.memory_space<vmem>> -> memref<1x128xi32, #tpu.memory_space<vmem>>
      %dma_start3A_39 = tpu.memref_squeeze %dma_start3A_38 : memref<1x128xi32, #tpu.memory_space<vmem>> -> memref<128xi32, #tpu.memory_space<vmem>>
      %dma_start3A_40 = arith.constant 0 : i32
      %dma_start3A_41 = arith.constant 0 : i32
      %dma_start3A_42 = tpu.memref_slice %arg4[%dma_start3A_40, %dma_start3A_41] : memref<10000x8xf32, #tpu.memory_space<hbm>> -> memref<10000x8xf32, #tpu.memory_space<hbm>>
      tpu.enqueue_indirect_dma source(%dma_start3A_42 : memref<10000x8xf32, #tpu.memory_space<hbm>>) target(%dma_start3A_36 : memref<128x8xf32, #tpu.memory_space<vmem>>) offsets(%dma_start3A_39 : memref<128xi32, #tpu.memory_space<vmem>>) semaphore(%arg12 : memref<!tpu.dma_semaphore, #tpu.memory_space<semaphore_mem>>)
    }
    %scan3A_8 = arith.constant 79 : i32
    %scan3A_9 = arith.constant 0 : i32
    %scan3A_10 = arith.constant 79 : i32
    %scan3A_11 = arith.addi %scan3A_9, %scan3A_10 : i32
    %scan3A_12 = arith.constant 1 : i32
    scf.for %scan3A_29 = %scan3A_9 to %scan3A_11 step %scan3A_12  : i32 {
      %mul3A_30 = arith.constant 1 : i32
      %mul3A_31 = arith.muli %scan3A_29, %mul3A_30 : i32
      %add3A_32 = arith.constant 0 : i32
      %add3A_33 = arith.addi %add3A_32, %mul3A_31 : i32
      %dma_wait3A = arith.constant 0 : i32
      %dma_wait3A_34 = arith.constant 0 : i32
      %dma_wait3A_35 = tpu.memref_slice %arg9[%add3A_33, %dma_wait3A, %dma_wait3A_34] : memref<79x128x8xf32, #tpu.memory_space<vmem>> -> memref<1x128x8xf32, #tpu.memory_space<vmem>>
      %dma_wait3A_36 = tpu.memref_squeeze %dma_wait3A_35 : memref<1x128x8xf32, #tpu.memory_space<vmem>> -> memref<128x8xf32, #tpu.memory_space<vmem>>
      %dma_wait3A_37 = arith.constant 0 : i32
      %dma_wait3A_38 = tpu.memref_slice %arg7[%add3A_33, %dma_wait3A_37] : memref<79x128xi32, #tpu.memory_space<vmem>> -> memref<1x128xi32, #tpu.memory_space<vmem>>
      %dma_wait3A_39 = tpu.memref_squeeze %dma_wait3A_38 : memref<1x128xi32, #tpu.memory_space<vmem>> -> memref<128xi32, #tpu.memory_space<vmem>>
      %dma_wait3A_40 = arith.constant 0 : i32
      %dma_wait3A_41 = arith.constant 0 : i32
      %dma_wait3A_42 = tpu.memref_slice %arg4[%dma_wait3A_40, %dma_wait3A_41] : memref<10000x8xf32, #tpu.memory_space<hbm>> -> memref<10000x8xf32, #tpu.memory_space<hbm>>
      tpu.wait_indirect_dma semaphore(%arg12 : memref<!tpu.dma_semaphore, #tpu.memory_space<semaphore_mem>>) src(%dma_wait3A_42 : memref<10000x8xf32, #tpu.memory_space<hbm>>) dst(%dma_wait3A_36 : memref<128x8xf32, #tpu.memory_space<vmem>>)
    }
    %scan3A_13 = arith.constant 79 : i32
    %barrier3A = arith.constant 0 : index
    tpu.barrier barrier_id(%barrier3A)
    %scan3A_14 = arith.constant 0 : i32
    %scan3A_15 = arith.constant 79 : i32
    %scan3A_16 = arith.addi %scan3A_14, %scan3A_15 : i32
    %scan3A_17 = arith.constant 1 : i32
    scf.for %scan3A_29 = %scan3A_14 to %scan3A_16 step %scan3A_17  : i32 {
      %mul3A_30 = arith.constant 1 : i32
      %mul3A_31 = arith.muli %scan3A_29, %mul3A_30 : i32
      %add3A_32 = arith.constant 0 : i32
      %add3A_33 = arith.addi %add3A_32, %mul3A_31 : i32
      %dma_start3A = arith.constant 0 : i32
      %dma_start3A_34 = arith.constant 0 : i32
      %dma_start3A_35 = tpu.memref_slice %arg9[%add3A_33, %dma_start3A, %dma_start3A_34] : memref<79x128x8xf32, #tpu.memory_space<vmem>> -> memref<1x128x8xf32, #tpu.memory_space<vmem>>
      %dma_start3A_36 = tpu.memref_squeeze %dma_start3A_35 : memref<1x128x8xf32, #tpu.memory_space<vmem>> -> memref<128x8xf32, #tpu.memory_space<vmem>>
      %dma_start3A_37 = arith.constant 0 : i32
      %dma_start3A_38 = tpu.memref_slice %arg8[%add3A_33, %dma_start3A_37] : memref<79x128xi32, #tpu.memory_space<vmem>> -> memref<1x128xi32, #tpu.memory_space<vmem>>
      %dma_start3A_39 = tpu.memref_squeeze %dma_start3A_38 : memref<1x128xi32, #tpu.memory_space<vmem>> -> memref<128xi32, #tpu.memory_space<vmem>>
      %dma_start3A_40 = arith.constant 0 : i32
      %dma_start3A_41 = arith.constant 0 : i32
      %dma_start3A_42 = tpu.memref_slice %arg11[%dma_start3A_40, %dma_start3A_41] : memref<10240x8xf32, #tpu.memory_space<vmem_shared>> -> memref<10240x8xf32, #tpu.memory_space<vmem_shared>>
      tpu.enqueue_indirect_dma source(%dma_start3A_36 : memref<128x8xf32, #tpu.memory_space<vmem>>) target(%dma_start3A_42 : memref<10240x8xf32, #tpu.memory_space<vmem_shared>>) offsets(%dma_start3A_39 : memref<128xi32, #tpu.memory_space<vmem>>) semaphore(%arg12 : memref<!tpu.dma_semaphore, #tpu.memory_space<semaphore_mem>>) {add = true}
    }
    %scan3A_18 = arith.constant 79 : i32
    %scan3A_19 = arith.constant 0 : i32
    %scan3A_20 = arith.constant 79 : i32
    %scan3A_21 = arith.addi %scan3A_19, %scan3A_20 : i32
    %scan3A_22 = arith.constant 1 : i32
    scf.for %scan3A_29 = %scan3A_19 to %scan3A_21 step %scan3A_22  : i32 {
      %mul3A_30 = arith.constant 1 : i32
      %mul3A_31 = arith.muli %scan3A_29, %mul3A_30 : i32
      %add3A_32 = arith.constant 0 : i32
      %add3A_33 = arith.addi %add3A_32, %mul3A_31 : i32
      %dma_wait3A = arith.constant 0 : i32
      %dma_wait3A_34 = arith.constant 0 : i32
      %dma_wait3A_35 = tpu.memref_slice %arg9[%add3A_33, %dma_wait3A, %dma_wait3A_34] : memref<79x128x8xf32, #tpu.memory_space<vmem>> -> memref<1x128x8xf32, #tpu.memory_space<vmem>>
      %dma_wait3A_36 = tpu.memref_squeeze %dma_wait3A_35 : memref<1x128x8xf32, #tpu.memory_space<vmem>> -> memref<128x8xf32, #tpu.memory_space<vmem>>
      %dma_wait3A_37 = arith.constant 0 : i32
      %dma_wait3A_38 = tpu.memref_slice %arg8[%add3A_33, %dma_wait3A_37] : memref<79x128xi32, #tpu.memory_space<vmem>> -> memref<1x128xi32, #tpu.memory_space<vmem>>
      %dma_wait3A_39 = tpu.memref_squeeze %dma_wait3A_38 : memref<1x128xi32, #tpu.memory_space<vmem>> -> memref<128xi32, #tpu.memory_space<vmem>>
      %dma_wait3A_40 = arith.constant 0 : i32
      %dma_wait3A_41 = arith.constant 0 : i32
      %dma_wait3A_42 = tpu.memref_slice %arg11[%dma_wait3A_40, %dma_wait3A_41] : memref<10240x8xf32, #tpu.memory_space<vmem_shared>> -> memref<10240x8xf32, #tpu.memory_space<vmem_shared>>
      tpu.wait_indirect_dma semaphore(%arg12 : memref<!tpu.dma_semaphore, #tpu.memory_space<semaphore_mem>>) src(%dma_wait3A_36 : memref<128x8xf32, #tpu.memory_space<vmem>>) dst(%dma_wait3A_42 : memref<10240x8xf32, #tpu.memory_space<vmem_shared>>)
    }
    %scan3A_23 = arith.constant 79 : i32
    %barrier3A_24 = arith.constant 0 : index
    tpu.barrier barrier_id(%barrier3A_24)
    %mul3A_25 = arith.constant 640 : i32
    %mul3A_26 = arith.muli %arg1, %mul3A_25 : i32
    "tpu.region"() ({
      %run_scoped3A = tpu.sem_alloc : memref<!tpu.dma_semaphore, #tpu.memory_space<semaphore_mem>>
      %dma_start3A = arith.constant 0 : i32
      %dma_start3A_29 = tpu.memref_slice %arg11[%mul3A_26, %dma_start3A] : memref<10240x8xf32, #tpu.memory_space<vmem_shared>> -> memref<640x8xf32, #tpu.memory_space<vmem_shared>>
      %dma_start3A_30 = arith.constant 0 : i32
      %dma_start3A_31 = tpu.memref_slice %arg11[%mul3A_26, %dma_start3A_30] : memref<10240x8xf32, #tpu.memory_space<vmem_shared>> -> memref<640x8xf32, #tpu.memory_space<vmem_shared>>
      tpu.enqueue_dma source(%dma_start3A_31 : memref<640x8xf32, #tpu.memory_space<vmem_shared>>) target(%arg10 : memref<640x8xf32, #tpu.memory_space<vmem>>) target_semaphore(%run_scoped3A : memref<!tpu.dma_semaphore, #tpu.memory_space<semaphore_mem>>)
      %dma_wait3A = arith.constant 0 : i32
      %dma_wait3A_32 = tpu.memref_slice %arg11[%mul3A_26, %dma_wait3A] : memref<10240x8xf32, #tpu.memory_space<vmem_shared>> -> memref<640x8xf32, #tpu.memory_space<vmem_shared>>
      %dma_wait3A_33 = arith.constant 0 : i32
      %dma_wait3A_34 = tpu.memref_slice %arg11[%mul3A_26, %dma_wait3A_33] : memref<10240x8xf32, #tpu.memory_space<vmem_shared>> -> memref<640x8xf32, #tpu.memory_space<vmem_shared>>
      tpu.wait_dma2 semaphore(%run_scoped3A : memref<!tpu.dma_semaphore, #tpu.memory_space<semaphore_mem>>) src(%dma_wait3A_34 : memref<640x8xf32, #tpu.memory_space<vmem_shared>>) dst(%arg10 : memref<640x8xf32, #tpu.memory_space<vmem>>)
      tpu.yield
    }) : () -> ()
    %mul3A_27 = arith.constant 640 : i32
    %mul3A_28 = arith.muli %arg1, %mul3A_27 : i32
    "tpu.region"() ({
      %run_scoped3A = tpu.sem_alloc : memref<!tpu.dma_semaphore, #tpu.memory_space<semaphore_mem>>
      %dma_start3A = arith.constant 0 : i32
      %dma_start3A_29 = tpu.memref_slice %arg6[%arg0, %mul3A_28, %dma_start3A] : memref<2x10240x8xf32, #tpu.memory_space<hbm>> -> memref<1x640x8xf32, #tpu.memory_space<hbm>>
      %dma_start3A_30 = tpu.memref_squeeze %dma_start3A_29 : memref<1x640x8xf32, #tpu.memory_space<hbm>> -> memref<640x8xf32, #tpu.memory_space<hbm>>
      %dma_start3A_31 = arith.constant 0 : i32
      %dma_start3A_32 = tpu.memref_slice %arg6[%arg0, %mul3A_28, %dma_start3A_31] : memref<2x10240x8xf32, #tpu.memory_space<hbm>> -> memref<1x640x8xf32, #tpu.memory_space<hbm>>
      %dma_start3A_33 = tpu.memref_squeeze %dma_start3A_32 : memref<1x640x8xf32, #tpu.memory_space<hbm>> -> memref<640x8xf32, #tpu.memory_space<hbm>>
      tpu.enqueue_dma source(%arg10 : memref<640x8xf32, #tpu.memory_space<vmem>>) target(%dma_start3A_33 : memref<640x8xf32, #tpu.memory_space<hbm>>) target_semaphore(%run_scoped3A : memref<!tpu.dma_semaphore, #tpu.memory_space<semaphore_mem>>)
      %dma_wait3A = arith.constant 0 : i32
      %dma_wait3A_34 = tpu.memref_slice %arg6[%arg0, %mul3A_28, %dma_wait3A] : memref<2x10240x8xf32, #tpu.memory_space<hbm>> -> memref<1x640x8xf32, #tpu.memory_space<hbm>>
      %dma_wait3A_35 = tpu.memref_squeeze %dma_wait3A_34 : memref<1x640x8xf32, #tpu.memory_space<hbm>> -> memref<640x8xf32, #tpu.memory_space<hbm>>
      %dma_wait3A_36 = arith.constant 0 : i32
      %dma_wait3A_37 = tpu.memref_slice %arg6[%arg0, %mul3A_28, %dma_wait3A_36] : memref<2x10240x8xf32, #tpu.memory_space<hbm>> -> memref<1x640x8xf32, #tpu.memory_space<hbm>>
      %dma_wait3A_38 = tpu.memref_squeeze %dma_wait3A_37 : memref<1x640x8xf32, #tpu.memory_space<hbm>> -> memref<640x8xf32, #tpu.memory_space<hbm>>
      tpu.wait_dma2 semaphore(%run_scoped3A : memref<!tpu.dma_semaphore, #tpu.memory_space<semaphore_mem>>) src(%arg10 : memref<640x8xf32, #tpu.memory_space<vmem>>) dst(%dma_wait3A_38 : memref<640x8xf32, #tpu.memory_space<hbm>>)
      tpu.yield
    }) : () -> ()
    return
  }
}

module attributes {stable_mosaic.version = 14 : i64} {
  func.func @_proj_body(%arg0: memref<10000x128xf32, #tpu.memory_space<vmem>>, %arg1: memref<128x8xf32, #tpu.memory_space<vmem>>, %arg2: memref<8x128xf32, #tpu.memory_space<vmem>>, %arg3: memref<10000x8xf32, #tpu.memory_space<vmem>>, %arg4: memref<8x10000xf32, #tpu.memory_space<vmem>>) attributes {dimension_semantics = [], scalar_prefetch = 0 : i64, scratch_operands = 0 : i64, tpu.core_type = #tpu.core_type<tc>} {
    %get3A = arith.constant 0 : index
    %get3A_0 = arith.constant 0 : index
    %get3A_1 = vector.load %arg0[%get3A, %get3A_0] : memref<10000x128xf32, #tpu.memory_space<vmem>>, vector<10000x128xf32>
    %get3A_2 = arith.constant 0 : index
    %get3A_3 = arith.constant 0 : index
    %get3A_4 = vector.load %arg1[%get3A_2, %get3A_3] : memref<128x8xf32, #tpu.memory_space<vmem>>, vector<128x8xf32>
    %dot_general3A = arith.constant dense<0.000000e+00> : vector<10000x8xf32>
    %dot_general3A_5 = tpu.matmul %get3A_1, %get3A_4, %dot_general3A {dimension_numbers = #tpu.dot_dimension_numbers<[1], [0], [0], [1], [0, 0, 1, 1], [], []>, transpose_lhs_hint = false} : vector<10000x128xf32>, vector<128x8xf32>, vector<10000x8xf32> -> vector<10000x8xf32>
    %swap3A = arith.constant 0 : index
    %swap3A_6 = arith.constant 0 : index
    %swap3A_7 = vector.load %arg3[%swap3A, %swap3A_6] : memref<10000x8xf32, #tpu.memory_space<vmem>>, vector<10000x8xf32>
    tpu.vector_store %arg3[%swap3A, %swap3A_6], %dot_general3A_5 {strides = array<i32>} : memref<10000x8xf32, #tpu.memory_space<vmem>>, vector<10000x8xf32>,
    %get3A_8 = arith.constant 0 : index
    %get3A_9 = arith.constant 0 : index
    %get3A_10 = vector.load %arg2[%get3A_8, %get3A_9] : memref<8x128xf32, #tpu.memory_space<vmem>>, vector<8x128xf32>
    %dot_general3A_11 = arith.constant dense<0.000000e+00> : vector<8x10000xf32>
    %dot_general3A_12 = tpu.matmul %get3A_10, %get3A_1, %dot_general3A_11 {dimension_numbers = #tpu.dot_dimension_numbers<[1], [1], [0], [0], [0, 0, 1, 0], [], []>, transpose_lhs_hint = false} : vector<8x128xf32>, vector<10000x128xf32>, vector<8x10000xf32> -> vector<8x10000xf32>
    %swap3A_13 = arith.constant 0 : index
    %swap3A_14 = arith.constant 0 : index
    %swap3A_15 = vector.load %arg4[%swap3A_13, %swap3A_14] : memref<8x10000xf32, #tpu.memory_space<vmem>>, vector<8x10000xf32>
    tpu.vector_store %arg4[%swap3A_13, %swap3A_14], %dot_general3A_12 {strides = array<i32>} : memref<8x10000xf32, #tpu.memory_space<vmem>>, vector<8x10000xf32>,
    return
  }
}

module attributes {stable_mosaic.version = 14 : i64} {
  func.func @_s2s_body(%arg0: memref<2x10240x8xf32, #tpu.memory_space<vmem>>, %arg1: memref<8x10000xf32, #tpu.memory_space<vmem>>, %arg2: memref<1x10000xi32, #tpu.memory_space<vmem>>, %arg3: memref<8x1xf32, #tpu.memory_space<vmem>>, %arg4: memref<24x32xf32, #tpu.memory_space<vmem>>, %arg5: memref<11x16x32xf32, #tpu.memory_space<vmem>>, %arg6: memref<12x32xf32, #tpu.memory_space<vmem>>, %arg7: memref<16x16xf32, #tpu.memory_space<vmem>>, %arg8: memref<1x16xf32, #tpu.memory_space<vmem>>, %arg9: memref<16x10xf32, #tpu.memory_space<vmem>>, %arg10: memref<1x10xf32, #tpu.memory_space<vmem>>, %arg11: memref<64x10xf32, #tpu.memory_space<vmem>>) attributes {dimension_semantics = [], scalar_prefetch = 0 : i64, scratch_operands = 0 : i64, tpu.core_type = #tpu.core_type<tc>} {
    %get3A = arith.constant 0 : index
    %get3A_0 = arith.constant 0 : index
    %get3A_1 = arith.constant 0 : index
    %get3A_2 = vector.load %arg0[%get3A, %get3A_0, %get3A_1] : memref<2x10240x8xf32, #tpu.memory_space<vmem>>, vector<1x10240x8xf32>
    %get3A_3 = vector.shape_cast %get3A_2 : vector<1x10240x8xf32> to vector<10240x8xf32>
    %get3A_4 = arith.constant 1 : index
    %get3A_5 = arith.constant 0 : index
    %get3A_6 = arith.constant 0 : index
    %get3A_7 = vector.load %arg0[%get3A_4, %get3A_5, %get3A_6] : memref<2x10240x8xf32, #tpu.memory_space<vmem>>, vector<1x10240x8xf32>
    %get3A_8 = vector.shape_cast %get3A_7 : vector<1x10240x8xf32> to vector<10240x8xf32>
    %add3A = arith.addf %get3A_3, %get3A_8 : vector<10240x8xf32>
    %get3A_9 = arith.constant 0 : index
    %get3A_10 = arith.constant 0 : index
    %get3A_11 = vector.load %arg1[%get3A_9, %get3A_10] : memref<8x10000xf32, #tpu.memory_space<vmem>>, vector<8x10000xf32>
    %get3A_12 = arith.constant 0 : index
    %get3A_13 = arith.constant 0 : index
    %get3A_14 = vector.load %arg3[%get3A_12, %get3A_13] : memref<8x1xf32, #tpu.memory_space<vmem>>, vector<8x1xf32>
    %add3A_15 = vector.broadcast %get3A_14 : vector<8x1xf32> to vector<8x10000xf32>
    %add3A_16 = arith.addf %get3A_11, %add3A_15 : vector<8x10000xf32>
    %broadcast_in_dim3A = arith.constant 0.000000e+00 : f32
    %broadcast_in_dim3A_17 = vector.broadcast %broadcast_in_dim3A : f32 to vector<8x240xf32>
    %concatenate3A = tpu.concatenate %add3A_16, %broadcast_in_dim3A_17 in 1 : vector<8x10000xf32>, vector<8x240xf32> -> vector<8x10240xf32>
    %transpose3A = tpu.transpose %add3A, [1, 0] : vector<10240x8xf32> -> vector<8x10240xf32>
    %add3A_18 = arith.addf %transpose3A, %concatenate3A : vector<8x10240xf32>
    %broadcast_in_dim3A_19 = arith.constant 1.000000e+00 : f32
    %broadcast_in_dim3A_20 = vector.broadcast %broadcast_in_dim3A_19 : f32 to vector<1x10240xf32>
    %concatenate3A_21 = tpu.concatenate %add3A_18, %broadcast_in_dim3A_20 in 0 : vector<8x10240xf32>, vector<1x10240xf32> -> vector<9x10240xf32>
    %get3A_22 = arith.constant 0 : index
    %get3A_23 = arith.constant 0 : index
    %get3A_24 = vector.load %arg2[%get3A_22, %get3A_23] : memref<1x10000xi32, #tpu.memory_space<vmem>>, vector<1x10000xi32>
    %broadcast_in_dim3A_25 = arith.constant 64 : i32
    %broadcast_in_dim3A_26 = vector.broadcast %broadcast_in_dim3A_25 : i32 to vector<1x240xi32>
    %concatenate3A_27 = tpu.concatenate %get3A_24, %broadcast_in_dim3A_26 in 1 : vector<1x10000xi32>, vector<1x240xi32> -> vector<1x10240xi32>
    %iota3A = tpu.iota {dimensions = array<i32: 0>} : vector<64x10240xi32>
    %eq3A = vector.broadcast %concatenate3A_27 : vector<1x10240xi32> to vector<64x10240xi32>
    %eq3A_28 = arith.cmpi eq, %iota3A, %eq3A : vector<64x10240xi32>
    %convert_element_type3A = arith.extui %eq3A_28 : vector<64x10240xi1> to vector<64x10240xi32>
    %convert_element_type3A_29 = arith.sitofp %convert_element_type3A : vector<64x10240xi32> to vector<64x10240xf32>
    %transpose3A_30 = tpu.transpose %convert_element_type3A_29, [1, 0] : vector<64x10240xf32> -> vector<10240x64xf32>
    %iota3A_31 = tpu.iota {dimensions = array<i32: 1>} : vector<1x10240xi32>
    %lt3A = arith.constant 10000 : i32
    %lt3A_32 = vector.broadcast %lt3A : i32 to vector<1x10240xi32>
    %lt3A_33 = arith.cmpi slt, %iota3A_31, %lt3A_32 : vector<1x10240xi32>
    %convert_element_type3A_34 = arith.extui %lt3A_33 : vector<1x10240xi1> to vector<1x10240xi32>
    %convert_element_type3A_35 = arith.sitofp %convert_element_type3A_34 : vector<1x10240xi32> to vector<1x10240xf32>
    %get3A_36 = arith.constant 0 : index
    %get3A_37 = arith.constant 0 : index
    %get3A_38 = vector.load %arg4[%get3A_36, %get3A_37] : memref<24x32xf32, #tpu.memory_space<vmem>>, vector<24x32xf32>
    %get3A_39 = arith.constant 0 : index
    %get3A_40 = arith.constant 0 : index
    %get3A_41 = arith.constant 0 : index
    %get3A_42 = vector.load %arg5[%get3A_39, %get3A_40, %get3A_41] : memref<11x16x32xf32, #tpu.memory_space<vmem>>, vector<11x16x32xf32>
    %get3A_43 = arith.constant 0 : index
    %get3A_44 = arith.constant 0 : index
    %get3A_45 = vector.load %arg6[%get3A_43, %get3A_44] : memref<12x32xf32, #tpu.memory_space<vmem>>, vector<12x32xf32>
    %broadcast_in_dim3A_46 = arith.constant 0.000000e+00 : f32
    %broadcast_in_dim3A_47 = vector.broadcast %broadcast_in_dim3A_46 : f32 to vector<64x16xf32>
    %broadcast_in_dim3A_48 = arith.constant 0.000000e+00 : f32
    %broadcast_in_dim3A_49 = vector.broadcast %broadcast_in_dim3A_48 : f32 to vector<64x8xf32>
    %broadcast_in_dim3A_50 = arith.constant 0.000000e+00 : f32
    %broadcast_in_dim3A_51 = vector.broadcast %broadcast_in_dim3A_50 : f32 to vector<64x8xf32>
    %broadcast_in_dim3A_52 = arith.constant 0.000000e+00 : f32
    %broadcast_in_dim3A_53 = vector.broadcast %broadcast_in_dim3A_52 : f32 to vector<64x8xf32>
    %broadcast_in_dim3A_54 = arith.constant 0.000000e+00 : f32
    %broadcast_in_dim3A_55 = vector.broadcast %broadcast_in_dim3A_54 : f32 to vector<64x8xf32>
    %broadcast_in_dim3A_56 = arith.constant 0.000000e+00 : f32
    %broadcast_in_dim3A_57 = vector.broadcast %broadcast_in_dim3A_56 : f32 to vector<64x8xf32>
    %broadcast_in_dim3A_58 = arith.constant 0.000000e+00 : f32
    %broadcast_in_dim3A_59 = vector.broadcast %broadcast_in_dim3A_58 : f32 to vector<64x8xf32>
    %broadcast_in_dim3A_60 = arith.constant 0.000000e+00 : f32
    %broadcast_in_dim3A_61 = vector.broadcast %broadcast_in_dim3A_60 : f32 to vector<64x8xf32>
    %broadcast_in_dim3A_62 = arith.constant 0.000000e+00 : f32
    %broadcast_in_dim3A_63 = vector.broadcast %broadcast_in_dim3A_62 : f32 to vector<64x8xf32>
    %broadcast_in_dim3A_64 = arith.constant 0.000000e+00 : f32
    %broadcast_in_dim3A_65 = vector.broadcast %broadcast_in_dim3A_64 : f32 to vector<64x8xf32>
    %broadcast_in_dim3A_66 = arith.constant 0.000000e+00 : f32
    %broadcast_in_dim3A_67 = vector.broadcast %broadcast_in_dim3A_66 : f32 to vector<64x8xf32>
    %broadcast_in_dim3A_68 = arith.constant 0.000000e+00 : f32
    %broadcast_in_dim3A_69 = vector.broadcast %broadcast_in_dim3A_68 : f32 to vector<64x8xf32>
    %broadcast_in_dim3A_70 = arith.constant 0.000000e+00 : f32
    %broadcast_in_dim3A_71 = vector.broadcast %broadcast_in_dim3A_70 : f32 to vector<64x8xf32>
    %broadcast_in_dim3A_72 = arith.constant 0.000000e+00 : f32
    %broadcast_in_dim3A_73 = vector.broadcast %broadcast_in_dim3A_72 : f32 to vector<64x8xf32>
    %broadcast_in_dim3A_74 = arith.constant 0.000000e+00 : f32
    %broadcast_in_dim3A_75 = vector.broadcast %broadcast_in_dim3A_74 : f32 to vector<64x8xf32>
    %broadcast_in_dim3A_76 = arith.constant 0.000000e+00 : f32
    %broadcast_in_dim3A_77 = vector.broadcast %broadcast_in_dim3A_76 : f32 to vector<64x8xf32>
    %broadcast_in_dim3A_78 = arith.constant 0.000000e+00 : f32
    %broadcast_in_dim3A_79 = vector.broadcast %broadcast_in_dim3A_78 : f32 to vector<64x8xf32>
    %broadcast_in_dim3A_80 = arith.constant 0.000000e+00 : f32
    %broadcast_in_dim3A_81 = vector.broadcast %broadcast_in_dim3A_80 : f32 to vector<64x8xf32>
    %broadcast_in_dim3A_82 = arith.constant 0.000000e+00 : f32
    %broadcast_in_dim3A_83 = vector.broadcast %broadcast_in_dim3A_82 : f32 to vector<64x8xf32>
    %broadcast_in_dim3A_84 = arith.constant 0.000000e+00 : f32
    %broadcast_in_dim3A_85 = vector.broadcast %broadcast_in_dim3A_84 : f32 to vector<64x8xf32>
    %broadcast_in_dim3A_86 = arith.constant 0.000000e+00 : f32
    %broadcast_in_dim3A_87 = vector.broadcast %broadcast_in_dim3A_86 : f32 to vector<64x8xf32>
    %broadcast_in_dim3A_88 = arith.constant 0.000000e+00 : f32
    %broadcast_in_dim3A_89 = vector.broadcast %broadcast_in_dim3A_88 : f32 to vector<64x8xf32>
    %broadcast_in_dim3A_90 = arith.constant 0.000000e+00 : f32
    %broadcast_in_dim3A_91 = vector.broadcast %broadcast_in_dim3A_90 : f32 to vector<64x8xf32>
    %broadcast_in_dim3A_92 = arith.constant 0.000000e+00 : f32
    %broadcast_in_dim3A_93 = vector.broadcast %broadcast_in_dim3A_92 : f32 to vector<64x8xf32>
    %broadcast_in_dim3A_94 = arith.constant 0.000000e+00 : f32
    %broadcast_in_dim3A_95 = vector.broadcast %broadcast_in_dim3A_94 : f32 to vector<64x8xf32>
    %scan3A = arith.constant 0xFF800000 : f32
    %scan3A_96 = arith.constant 0 : i32
    %scan3A_97 = arith.constant 12 : i32
    %scan3A_98 = arith.addi %scan3A_96, %scan3A_97 : i32
    %scan3A_99 = arith.constant 1 : i32
    %scan3A_100:25 = scf.for %scan3A_132 = %scan3A_96 to %scan3A_98 step %scan3A_99 iter_args(%scan3A_133 = %broadcast_in_dim3A_47, %scan3A_134 = %broadcast_in_dim3A_49, %scan3A_135 = %broadcast_in_dim3A_51, %scan3A_136 = %broadcast_in_dim3A_53, %scan3A_137 = %broadcast_in_dim3A_55, %scan3A_138 = %broadcast_in_dim3A_57, %scan3A_139 = %broadcast_in_dim3A_59, %scan3A_140 = %broadcast_in_dim3A_61, %scan3A_141 = %broadcast_in_dim3A_63, %scan3A_142 = %broadcast_in_dim3A_65, %scan3A_143 = %broadcast_in_dim3A_67, %scan3A_144 = %broadcast_in_dim3A_69, %scan3A_145 = %broadcast_in_dim3A_71, %scan3A_146 = %broadcast_in_dim3A_73, %scan3A_147 = %broadcast_in_dim3A_75, %scan3A_148 = %broadcast_in_dim3A_77, %scan3A_149 = %broadcast_in_dim3A_79, %scan3A_150 = %broadcast_in_dim3A_81, %scan3A_151 = %broadcast_in_dim3A_83, %scan3A_152 = %broadcast_in_dim3A_85, %scan3A_153 = %broadcast_in_dim3A_87, %scan3A_154 = %broadcast_in_dim3A_89, %scan3A_155 = %broadcast_in_dim3A_91, %scan3A_156 = %broadcast_in_dim3A_93, %scan3A_157 = %broadcast_in_dim3A_95) -> (vector<64x16xf32>, vector<64x8xf32>, vector<64x8xf32>, vector<64x8xf32>, vector<64x8xf32>, vector<64x8xf32>, vector<64x8xf32>, vector<64x8xf32>, vector<64x8xf32>, vector<64x8xf32>, vector<64x8xf32>, vector<64x8xf32>, vector<64x8xf32>, vector<64x8xf32>, vector<64x8xf32>, vector<64x8xf32>, vector<64x8xf32>, vector<64x8xf32>, vector<64x8xf32>, vector<64x8xf32>, vector<64x8xf32>, vector<64x8xf32>, vector<64x8xf32>, vector<64x8xf32>, vector<64x8xf32>)  : i32 {
      %concatenate3A_158 = tpu.concatenate %scan3A_133, %scan3A_134 in 1 : vector<64x16xf32>, vector<64x8xf32> -> vector<64x24xf32>
      %dot_general3A_159 = arith.constant dense<0.000000e+00> : vector<64x32xf32>
      %dot_general3A_160 = tpu.matmul %concatenate3A_158, %get3A_38, %dot_general3A_159 {dimension_numbers = #tpu.dot_dimension_numbers<[1], [0], [0], [1], [0, 0, 1, 1], [], []>, transpose_lhs_hint = false} : vector<64x24xf32>, vector<24x32xf32>, vector<64x32xf32> -> vector<64x32xf32>
      %slice3A = vector.extract_strided_slice %get3A_45 {offsets = [0, 0], sizes = [1, 32], strides = [1, 1]} : vector<12x32xf32> to vector<1x32xf32>
      %squeeze3A = vector.shape_cast %slice3A : vector<1x32xf32> to vector<32xf32>
      %broadcast_in_dim3A_161 = vector.shape_cast %squeeze3A : vector<32xf32> to vector<1x32xf32>
      %add3A_162 = vector.broadcast %broadcast_in_dim3A_161 : vector<1x32xf32> to vector<64x32xf32>
      %add3A_163 = arith.addf %dot_general3A_160, %add3A_162 : vector<64x32xf32>
      %slice3A_164 = vector.extract_strided_slice %add3A_163 {offsets = [0, 0], sizes = [64, 8], strides = [1, 1]} : vector<64x32xf32> to vector<64x8xf32>
      %logistic3A = arith.negf %slice3A_164 : vector<64x8xf32>
      %logistic3A_165 = math.exp %logistic3A : vector<64x8xf32>
      %logistic3A_166 = arith.constant 1.000000e+00 : f32
      %logistic3A_167 = vector.broadcast %logistic3A_166 : f32 to vector<64x8xf32>
      %logistic3A_168 = arith.addf %logistic3A_167, %logistic3A_165 : vector<64x8xf32>
      %logistic3A_169 = arith.divf %logistic3A_167, %logistic3A_168 : vector<64x8xf32>
      %slice3A_170 = vector.extract_strided_slice %add3A_163 {offsets = [0, 8], sizes = [64, 8], strides = [1, 1]} : vector<64x32xf32> to vector<64x8xf32>
      %logistic3A_171 = arith.negf %slice3A_170 : vector<64x8xf32>
      %logistic3A_172 = math.exp %logistic3A_171 : vector<64x8xf32>
      %logistic3A_173 = arith.constant 1.000000e+00 : f32
      %logistic3A_174 = vector.broadcast %logistic3A_173 : f32 to vector<64x8xf32>
      %logistic3A_175 = arith.addf %logistic3A_174, %logistic3A_172 : vector<64x8xf32>
      %logistic3A_176 = arith.divf %logistic3A_174, %logistic3A_175 : vector<64x8xf32>
      %slice3A_177 = vector.extract_strided_slice %add3A_163 {offsets = [0, 16], sizes = [64, 8], strides = [1, 1]} : vector<64x32xf32> to vector<64x8xf32>
      %tanh3A = math.tanh %slice3A_177 : vector<64x8xf32>
      %slice3A_178 = vector.extract_strided_slice %add3A_163 {offsets = [0, 24], sizes = [64, 8], strides = [1, 1]} : vector<64x32xf32> to vector<64x8xf32>
      %logistic3A_179 = arith.negf %slice3A_178 : vector<64x8xf32>
      %logistic3A_180 = math.exp %logistic3A_179 : vector<64x8xf32>
      %logistic3A_181 = arith.constant 1.000000e+00 : f32
      %logistic3A_182 = vector.broadcast %logistic3A_181 : f32 to vector<64x8xf32>
      %logistic3A_183 = arith.addf %logistic3A_182, %logistic3A_180 : vector<64x8xf32>
      %logistic3A_184 = arith.divf %logistic3A_182, %logistic3A_183 : vector<64x8xf32>
      %mul3A = arith.mulf %logistic3A_176, %scan3A_146 : vector<64x8xf32>
      %mul3A_185 = arith.mulf %logistic3A_169, %tanh3A : vector<64x8xf32>
      %add3A_186 = arith.addf %mul3A, %mul3A_185 : vector<64x8xf32>
      %tanh3A_187 = math.tanh %add3A_186 : vector<64x8xf32>
      %mul3A_188 = arith.mulf %logistic3A_184, %tanh3A_187 : vector<64x8xf32>
      %slice3A_189 = vector.extract_strided_slice %get3A_42 {offsets = [0, 0, 0], sizes = [1, 16, 32], strides = [1, 1, 1]} : vector<11x16x32xf32> to vector<1x16x32xf32>
      %squeeze3A_190 = vector.shape_cast %slice3A_189 : vector<1x16x32xf32> to vector<16x32xf32>
      %concatenate3A_191 = tpu.concatenate %mul3A_188, %scan3A_135 in 1 : vector<64x8xf32>, vector<64x8xf32> -> vector<64x16xf32>
      %dot_general3A_192 = arith.constant dense<0.000000e+00> : vector<64x32xf32>
      %dot_general3A_193 = tpu.matmul %concatenate3A_191, %squeeze3A_190, %dot_general3A_192 {dimension_numbers = #tpu.dot_dimension_numbers<[1], [0], [0], [1], [0, 0, 1, 1], [], []>, transpose_lhs_hint = false} : vector<64x16xf32>, vector<16x32xf32>, vector<64x32xf32> -> vector<64x32xf32>
      %slice3A_194 = vector.extract_strided_slice %get3A_45 {offsets = [1, 0], sizes = [1, 32], strides = [1, 1]} : vector<12x32xf32> to vector<1x32xf32>
      %squeeze3A_195 = vector.shape_cast %slice3A_194 : vector<1x32xf32> to vector<32xf32>
      %broadcast_in_dim3A_196 = vector.shape_cast %squeeze3A_195 : vector<32xf32> to vector<1x32xf32>
      %add3A_197 = vector.broadcast %broadcast_in_dim3A_196 : vector<1x32xf32> to vector<64x32xf32>
      %add3A_198 = arith.addf %dot_general3A_193, %add3A_197 : vector<64x32xf32>
      %slice3A_199 = vector.extract_strided_slice %add3A_198 {offsets = [0, 0], sizes = [64, 8], strides = [1, 1]} : vector<64x32xf32> to vector<64x8xf32>
      %logistic3A_200 = arith.negf %slice3A_199 : vector<64x8xf32>
      %logistic3A_201 = math.exp %logistic3A_200 : vector<64x8xf32>
      %logistic3A_202 = arith.constant 1.000000e+00 : f32
      %logistic3A_203 = vector.broadcast %logistic3A_202 : f32 to vector<64x8xf32>
      %logistic3A_204 = arith.addf %logistic3A_203, %logistic3A_201 : vector<64x8xf32>
      %logistic3A_205 = arith.divf %logistic3A_203, %logistic3A_204 : vector<64x8xf32>
      %slice3A_206 = vector.extract_strided_slice %add3A_198 {offsets = [0, 8], sizes = [64, 8], strides = [1, 1]} : vector<64x32xf32> to vector<64x8xf32>
      %logistic3A_207 = arith.negf %slice3A_206 : vector<64x8xf32>
      %logistic3A_208 = math.exp %logistic3A_207 : vector<64x8xf32>
      %logistic3A_209 = arith.constant 1.000000e+00 : f32
      %logistic3A_210 = vector.broadcast %logistic3A_209 : f32 to vector<64x8xf32>
      %logistic3A_211 = arith.addf %logistic3A_210, %logistic3A_208 : vector<64x8xf32>
      %logistic3A_212 = arith.divf %logistic3A_210, %logistic3A_211 : vector<64x8xf32>
      %slice3A_213 = vector.extract_strided_slice %add3A_198 {offsets = [0, 16], sizes = [64, 8], strides = [1, 1]} : vector<64x32xf32> to vector<64x8xf32>
      %tanh3A_214 = math.tanh %slice3A_213 : vector<64x8xf32>
      %slice3A_215 = vector.extract_strided_slice %add3A_198 {offsets = [0, 24], sizes = [64, 8], strides = [1, 1]} : vector<64x32xf32> to vector<64x8xf32>
      %logistic3A_216 = arith.negf %slice3A_215 : vector<64x8xf32>
      %logistic3A_217 = math.exp %logistic3A_216 : vector<64x8xf32>
      %logistic3A_218 = arith.constant 1.000000e+00 : f32
      %logistic3A_219 = vector.broadcast %logistic3A_218 : f32 to vector<64x8xf32>
      %logistic3A_220 = arith.addf %logistic3A_219, %logistic3A_217 : vector<64x8xf32>
      %logistic3A_221 = arith.divf %logistic3A_219, %logistic3A_220 : vector<64x8xf32>
      %mul3A_222 = arith.mulf %logistic3A_212, %scan3A_147 : vector<64x8xf32>
      %mul3A_223 = arith.mulf %logistic3A_205, %tanh3A_214 : vector<64x8xf32>
      %add3A_224 = arith.addf %mul3A_222, %mul3A_223 : vector<64x8xf32>
      %tanh3A_225 = math.tanh %add3A_224 : vector<64x8xf32>
      %mul3A_226 = arith.mulf %logistic3A_221, %tanh3A_225 : vector<64x8xf32>
      %slice3A_227 = vector.extract_strided_slice %get3A_42 {offsets = [1, 0, 0], sizes = [1, 16, 32], strides = [1, 1, 1]} : vector<11x16x32xf32> to vector<1x16x32xf32>
      %squeeze3A_228 = vector.shape_cast %slice3A_227 : vector<1x16x32xf32> to vector<16x32xf32>
      %concatenate3A_229 = tpu.concatenate %mul3A_226, %scan3A_136 in 1 : vector<64x8xf32>, vector<64x8xf32> -> vector<64x16xf32>
      %dot_general3A_230 = arith.constant dense<0.000000e+00> : vector<64x32xf32>
      %dot_general3A_231 = tpu.matmul %concatenate3A_229, %squeeze3A_228, %dot_general3A_230 {dimension_numbers = #tpu.dot_dimension_numbers<[1], [0], [0], [1], [0, 0, 1, 1], [], []>, transpose_lhs_hint = false} : vector<64x16xf32>, vector<16x32xf32>, vector<64x32xf32> -> vector<64x32xf32>
      %slice3A_232 = vector.extract_strided_slice %get3A_45 {offsets = [2, 0], sizes = [1, 32], strides = [1, 1]} : vector<12x32xf32> to vector<1x32xf32>
      %squeeze3A_233 = vector.shape_cast %slice3A_232 : vector<1x32xf32> to vector<32xf32>
      %broadcast_in_dim3A_234 = vector.shape_cast %squeeze3A_233 : vector<32xf32> to vector<1x32xf32>
      %add3A_235 = vector.broadcast %broadcast_in_dim3A_234 : vector<1x32xf32> to vector<64x32xf32>
      %add3A_236 = arith.addf %dot_general3A_231, %add3A_235 : vector<64x32xf32>
      %slice3A_237 = vector.extract_strided_slice %add3A_236 {offsets = [0, 0], sizes = [64, 8], strides = [1, 1]} : vector<64x32xf32> to vector<64x8xf32>
      %logistic3A_238 = arith.negf %slice3A_237 : vector<64x8xf32>
      %logistic3A_239 = math.exp %logistic3A_238 : vector<64x8xf32>
      %logistic3A_240 = arith.constant 1.000000e+00 : f32
      %logistic3A_241 = vector.broadcast %logistic3A_240 : f32 to vector<64x8xf32>
      %logistic3A_242 = arith.addf %logistic3A_241, %logistic3A_239 : vector<64x8xf32>
      %logistic3A_243 = arith.divf %logistic3A_241, %logistic3A_242 : vector<64x8xf32>
      %slice3A_244 = vector.extract_strided_slice %add3A_236 {offsets = [0, 8], sizes = [64, 8], strides = [1, 1]} : vector<64x32xf32> to vector<64x8xf32>
      %logistic3A_245 = arith.negf %slice3A_244 : vector<64x8xf32>
      %logistic3A_246 = math.exp %logistic3A_245 : vector<64x8xf32>
      %logistic3A_247 = arith.constant 1.000000e+00 : f32
      %logistic3A_248 = vector.broadcast %logistic3A_247 : f32 to vector<64x8xf32>
      %logistic3A_249 = arith.addf %logistic3A_248, %logistic3A_246 : vector<64x8xf32>
      %logistic3A_250 = arith.divf %logistic3A_248, %logistic3A_249 : vector<64x8xf32>
      %slice3A_251 = vector.extract_strided_slice %add3A_236 {offsets = [0, 16], sizes = [64, 8], strides = [1, 1]} : vector<64x32xf32> to vector<64x8xf32>
      %tanh3A_252 = math.tanh %slice3A_251 : vector<64x8xf32>
      %slice3A_253 = vector.extract_strided_slice %add3A_236 {offsets = [0, 24], sizes = [64, 8], strides = [1, 1]} : vector<64x32xf32> to vector<64x8xf32>
      %logistic3A_254 = arith.negf %slice3A_253 : vector<64x8xf32>
      %logistic3A_255 = math.exp %logistic3A_254 : vector<64x8xf32>
      %logistic3A_256 = arith.constant 1.000000e+00 : f32
      %logistic3A_257 = vector.broadcast %logistic3A_256 : f32 to vector<64x8xf32>
      %logistic3A_258 = arith.addf %logistic3A_257, %logistic3A_255 : vector<64x8xf32>
      %logistic3A_259 = arith.divf %logistic3A_257, %logistic3A_258 : vector<64x8xf32>
      %mul3A_260 = arith.mulf %logistic3A_250, %scan3A_148 : vector<64x8xf32>
      %mul3A_261 = arith.mulf %logistic3A_243, %tanh3A_252 : vector<64x8xf32>
      %add3A_262 = arith.addf %mul3A_260, %mul3A_261 : vector<64x8xf32>
      %tanh3A_263 = math.tanh %add3A_262 : vector<64x8xf32>
      %mul3A_264 = arith.mulf %logistic3A_259, %tanh3A_263 : vector<64x8xf32>
      %slice3A_265 = vector.extract_strided_slice %get3A_42 {offsets = [2, 0, 0], sizes = [1, 16, 32], strides = [1, 1, 1]} : vector<11x16x32xf32> to vector<1x16x32xf32>
      %squeeze3A_266 = vector.shape_cast %slice3A_265 : vector<1x16x32xf32> to vector<16x32xf32>
      %concatenate3A_267 = tpu.concatenate %mul3A_264, %scan3A_137 in 1 : vector<64x8xf32>, vector<64x8xf32> -> vector<64x16xf32>
      %dot_general3A_268 = arith.constant dense<0.000000e+00> : vector<64x32xf32>
      %dot_general3A_269 = tpu.matmul %concatenate3A_267, %squeeze3A_266, %dot_general3A_268 {dimension_numbers = #tpu.dot_dimension_numbers<[1], [0], [0], [1], [0, 0, 1, 1], [], []>, transpose_lhs_hint = false} : vector<64x16xf32>, vector<16x32xf32>, vector<64x32xf32> -> vector<64x32xf32>
      %slice3A_270 = vector.extract_strided_slice %get3A_45 {offsets = [3, 0], sizes = [1, 32], strides = [1, 1]} : vector<12x32xf32> to vector<1x32xf32>
      %squeeze3A_271 = vector.shape_cast %slice3A_270 : vector<1x32xf32> to vector<32xf32>
      %broadcast_in_dim3A_272 = vector.shape_cast %squeeze3A_271 : vector<32xf32> to vector<1x32xf32>
      %add3A_273 = vector.broadcast %broadcast_in_dim3A_272 : vector<1x32xf32> to vector<64x32xf32>
      %add3A_274 = arith.addf %dot_general3A_269, %add3A_273 : vector<64x32xf32>
      %slice3A_275 = vector.extract_strided_slice %add3A_274 {offsets = [0, 0], sizes = [64, 8], strides = [1, 1]} : vector<64x32xf32> to vector<64x8xf32>
      %logistic3A_276 = arith.negf %slice3A_275 : vector<64x8xf32>
      %logistic3A_277 = math.exp %logistic3A_276 : vector<64x8xf32>
      %logistic3A_278 = arith.constant 1.000000e+00 : f32
      %logistic3A_279 = vector.broadcast %logistic3A_278 : f32 to vector<64x8xf32>
      %logistic3A_280 = arith.addf %logistic3A_279, %logistic3A_277 : vector<64x8xf32>
      %logistic3A_281 = arith.divf %logistic3A_279, %logistic3A_280 : vector<64x8xf32>
      %slice3A_282 = vector.extract_strided_slice %add3A_274 {offsets = [0, 8], sizes = [64, 8], strides = [1, 1]} : vector<64x32xf32> to vector<64x8xf32>
      %logistic3A_283 = arith.negf %slice3A_282 : vector<64x8xf32>
      %logistic3A_284 = math.exp %logistic3A_283 : vector<64x8xf32>
      %logistic3A_285 = arith.constant 1.000000e+00 : f32
      %logistic3A_286 = vector.broadcast %logistic3A_285 : f32 to vector<64x8xf32>
      %logistic3A_287 = arith.addf %logistic3A_286, %logistic3A_284 : vector<64x8xf32>
      %logistic3A_288 = arith.divf %logistic3A_286, %logistic3A_287 : vector<64x8xf32>
      %slice3A_289 = vector.extract_strided_slice %add3A_274 {offsets = [0, 16], sizes = [64, 8], strides = [1, 1]} : vector<64x32xf32> to vector<64x8xf32>
      %tanh3A_290 = math.tanh %slice3A_289 : vector<64x8xf32>
      %slice3A_291 = vector.extract_strided_slice %add3A_274 {offsets = [0, 24], sizes = [64, 8], strides = [1, 1]} : vector<64x32xf32> to vector<64x8xf32>
      %logistic3A_292 = arith.negf %slice3A_291 : vector<64x8xf32>
      %logistic3A_293 = math.exp %logistic3A_292 : vector<64x8xf32>
      %logistic3A_294 = arith.constant 1.000000e+00 : f32
      %logistic3A_295 = vector.broadcast %logistic3A_294 : f32 to vector<64x8xf32>
      %logistic3A_296 = arith.addf %logistic3A_295, %logistic3A_293 : vector<64x8xf32>
      %logistic3A_297 = arith.divf %logistic3A_295, %logistic3A_296 : vector<64x8xf32>
      %mul3A_298 = arith.mulf %logistic3A_288, %scan3A_149 : vector<64x8xf32>
      %mul3A_299 = arith.mulf %logistic3A_281, %tanh3A_290 : vector<64x8xf32>
      %add3A_300 = arith.addf %mul3A_298, %mul3A_299 : vector<64x8xf32>
      %tanh3A_301 = math.tanh %add3A_300 : vector<64x8xf32>
      %mul3A_302 = arith.mulf %logistic3A_297, %tanh3A_301 : vector<64x8xf32>
      %slice3A_303 = vector.extract_strided_slice %get3A_42 {offsets = [3, 0, 0], sizes = [1, 16, 32], strides = [1, 1, 1]} : vector<11x16x32xf32> to vector<1x16x32xf32>
      %squeeze3A_304 = vector.shape_cast %slice3A_303 : vector<1x16x32xf32> to vector<16x32xf32>
      %concatenate3A_305 = tpu.concatenate %mul3A_302, %scan3A_138 in 1 : vector<64x8xf32>, vector<64x8xf32> -> vector<64x16xf32>
      %dot_general3A_306 = arith.constant dense<0.000000e+00> : vector<64x32xf32>
      %dot_general3A_307 = tpu.matmul %concatenate3A_305, %squeeze3A_304, %dot_general3A_306 {dimension_numbers = #tpu.dot_dimension_numbers<[1], [0], [0], [1], [0, 0, 1, 1], [], []>, transpose_lhs_hint = false} : vector<64x16xf32>, vector<16x32xf32>, vector<64x32xf32> -> vector<64x32xf32>
      %slice3A_308 = vector.extract_strided_slice %get3A_45 {offsets = [4, 0], sizes = [1, 32], strides = [1, 1]} : vector<12x32xf32> to vector<1x32xf32>
      %squeeze3A_309 = vector.shape_cast %slice3A_308 : vector<1x32xf32> to vector<32xf32>
      %broadcast_in_dim3A_310 = vector.shape_cast %squeeze3A_309 : vector<32xf32> to vector<1x32xf32>
      %add3A_311 = vector.broadcast %broadcast_in_dim3A_310 : vector<1x32xf32> to vector<64x32xf32>
      %add3A_312 = arith.addf %dot_general3A_307, %add3A_311 : vector<64x32xf32>
      %slice3A_313 = vector.extract_strided_slice %add3A_312 {offsets = [0, 0], sizes = [64, 8], strides = [1, 1]} : vector<64x32xf32> to vector<64x8xf32>
      %logistic3A_314 = arith.negf %slice3A_313 : vector<64x8xf32>
      %logistic3A_315 = math.exp %logistic3A_314 : vector<64x8xf32>
      %logistic3A_316 = arith.constant 1.000000e+00 : f32
      %logistic3A_317 = vector.broadcast %logistic3A_316 : f32 to vector<64x8xf32>
      %logistic3A_318 = arith.addf %logistic3A_317, %logistic3A_315 : vector<64x8xf32>
      %logistic3A_319 = arith.divf %logistic3A_317, %logistic3A_318 : vector<64x8xf32>
      %slice3A_320 = vector.extract_strided_slice %add3A_312 {offsets = [0, 8], sizes = [64, 8], strides = [1, 1]} : vector<64x32xf32> to vector<64x8xf32>
      %logistic3A_321 = arith.negf %slice3A_320 : vector<64x8xf32>
      %logistic3A_322 = math.exp %logistic3A_321 : vector<64x8xf32>
      %logistic3A_323 = arith.constant 1.000000e+00 : f32
      %logistic3A_324 = vector.broadcast %logistic3A_323 : f32 to vector<64x8xf32>
      %logistic3A_325 = arith.addf %logistic3A_324, %logistic3A_322 : vector<64x8xf32>
      %logistic3A_326 = arith.divf %logistic3A_324, %logistic3A_325 : vector<64x8xf32>
      %slice3A_327 = vector.extract_strided_slice %add3A_312 {offsets = [0, 16], sizes = [64, 8], strides = [1, 1]} : vector<64x32xf32> to vector<64x8xf32>
      %tanh3A_328 = math.tanh %slice3A_327 : vector<64x8xf32>
      %slice3A_329 = vector.extract_strided_slice %add3A_312 {offsets = [0, 24], sizes = [64, 8], strides = [1, 1]} : vector<64x32xf32> to vector<64x8xf32>
      %logistic3A_330 = arith.negf %slice3A_329 : vector<64x8xf32>
      %logistic3A_331 = math.exp %logistic3A_330 : vector<64x8xf32>
      %logistic3A_332 = arith.constant 1.000000e+00 : f32
      %logistic3A_333 = vector.broadcast %logistic3A_332 : f32 to vector<64x8xf32>
      %logistic3A_334 = arith.addf %logistic3A_333, %logistic3A_331 : vector<64x8xf32>
      %logistic3A_335 = arith.divf %logistic3A_333, %logistic3A_334 : vector<64x8xf32>
      %mul3A_336 = arith.mulf %logistic3A_326, %scan3A_150 : vector<64x8xf32>
      %mul3A_337 = arith.mulf %logistic3A_319, %tanh3A_328 : vector<64x8xf32>
      %add3A_338 = arith.addf %mul3A_336, %mul3A_337 : vector<64x8xf32>
      %tanh3A_339 = math.tanh %add3A_338 : vector<64x8xf32>
      %mul3A_340 = arith.mulf %logistic3A_335, %tanh3A_339 : vector<64x8xf32>
      %slice3A_341 = vector.extract_strided_slice %get3A_42 {offsets = [4, 0, 0], sizes = [1, 16, 32], strides = [1, 1, 1]} : vector<11x16x32xf32> to vector<1x16x32xf32>
      %squeeze3A_342 = vector.shape_cast %slice3A_341 : vector<1x16x32xf32> to vector<16x32xf32>
      %concatenate3A_343 = tpu.concatenate %mul3A_340, %scan3A_139 in 1 : vector<64x8xf32>, vector<64x8xf32> -> vector<64x16xf32>
      %dot_general3A_344 = arith.constant dense<0.000000e+00> : vector<64x32xf32>
      %dot_general3A_345 = tpu.matmul %concatenate3A_343, %squeeze3A_342, %dot_general3A_344 {dimension_numbers = #tpu.dot_dimension_numbers<[1], [0], [0], [1], [0, 0, 1, 1], [], []>, transpose_lhs_hint = false} : vector<64x16xf32>, vector<16x32xf32>, vector<64x32xf32> -> vector<64x32xf32>
      %slice3A_346 = vector.extract_strided_slice %get3A_45 {offsets = [5, 0], sizes = [1, 32], strides = [1, 1]} : vector<12x32xf32> to vector<1x32xf32>
      %squeeze3A_347 = vector.shape_cast %slice3A_346 : vector<1x32xf32> to vector<32xf32>
      %broadcast_in_dim3A_348 = vector.shape_cast %squeeze3A_347 : vector<32xf32> to vector<1x32xf32>
      %add3A_349 = vector.broadcast %broadcast_in_dim3A_348 : vector<1x32xf32> to vector<64x32xf32>
      %add3A_350 = arith.addf %dot_general3A_345, %add3A_349 : vector<64x32xf32>
      %slice3A_351 = vector.extract_strided_slice %add3A_350 {offsets = [0, 0], sizes = [64, 8], strides = [1, 1]} : vector<64x32xf32> to vector<64x8xf32>
      %logistic3A_352 = arith.negf %slice3A_351 : vector<64x8xf32>
      %logistic3A_353 = math.exp %logistic3A_352 : vector<64x8xf32>
      %logistic3A_354 = arith.constant 1.000000e+00 : f32
      %logistic3A_355 = vector.broadcast %logistic3A_354 : f32 to vector<64x8xf32>
      %logistic3A_356 = arith.addf %logistic3A_355, %logistic3A_353 : vector<64x8xf32>
      %logistic3A_357 = arith.divf %logistic3A_355, %logistic3A_356 : vector<64x8xf32>
      %slice3A_358 = vector.extract_strided_slice %add3A_350 {offsets = [0, 8], sizes = [64, 8], strides = [1, 1]} : vector<64x32xf32> to vector<64x8xf32>
      %logistic3A_359 = arith.negf %slice3A_358 : vector<64x8xf32>
      %logistic3A_360 = math.exp %logistic3A_359 : vector<64x8xf32>
      %logistic3A_361 = arith.constant 1.000000e+00 : f32
      %logistic3A_362 = vector.broadcast %logistic3A_361 : f32 to vector<64x8xf32>
      %logistic3A_363 = arith.addf %logistic3A_362, %logistic3A_360 : vector<64x8xf32>
      %logistic3A_364 = arith.divf %logistic3A_362, %logistic3A_363 : vector<64x8xf32>
      %slice3A_365 = vector.extract_strided_slice %add3A_350 {offsets = [0, 16], sizes = [64, 8], strides = [1, 1]} : vector<64x32xf32> to vector<64x8xf32>
      %tanh3A_366 = math.tanh %slice3A_365 : vector<64x8xf32>
      %slice3A_367 = vector.extract_strided_slice %add3A_350 {offsets = [0, 24], sizes = [64, 8], strides = [1, 1]} : vector<64x32xf32> to vector<64x8xf32>
      %logistic3A_368 = arith.negf %slice3A_367 : vector<64x8xf32>
      %logistic3A_369 = math.exp %logistic3A_368 : vector<64x8xf32>
      %logistic3A_370 = arith.constant 1.000000e+00 : f32
      %logistic3A_371 = vector.broadcast %logistic3A_370 : f32 to vector<64x8xf32>
      %logistic3A_372 = arith.addf %logistic3A_371, %logistic3A_369 : vector<64x8xf32>
      %logistic3A_373 = arith.divf %logistic3A_371, %logistic3A_372 : vector<64x8xf32>
      %mul3A_374 = arith.mulf %logistic3A_364, %scan3A_151 : vector<64x8xf32>
      %mul3A_375 = arith.mulf %logistic3A_357, %tanh3A_366 : vector<64x8xf32>
      %add3A_376 = arith.addf %mul3A_374, %mul3A_375 : vector<64x8xf32>
      %tanh3A_377 = math.tanh %add3A_376 : vector<64x8xf32>
      %mul3A_378 = arith.mulf %logistic3A_373, %tanh3A_377 : vector<64x8xf32>
      %slice3A_379 = vector.extract_strided_slice %get3A_42 {offsets = [5, 0, 0], sizes = [1, 16, 32], strides = [1, 1, 1]} : vector<11x16x32xf32> to vector<1x16x32xf32>
      %squeeze3A_380 = vector.shape_cast %slice3A_379 : vector<1x16x32xf32> to vector<16x32xf32>
      %concatenate3A_381 = tpu.concatenate %mul3A_378, %scan3A_140 in 1 : vector<64x8xf32>, vector<64x8xf32> -> vector<64x16xf32>
      %dot_general3A_382 = arith.constant dense<0.000000e+00> : vector<64x32xf32>
      %dot_general3A_383 = tpu.matmul %concatenate3A_381, %squeeze3A_380, %dot_general3A_382 {dimension_numbers = #tpu.dot_dimension_numbers<[1], [0], [0], [1], [0, 0, 1, 1], [], []>, transpose_lhs_hint = false} : vector<64x16xf32>, vector<16x32xf32>, vector<64x32xf32> -> vector<64x32xf32>
      %slice3A_384 = vector.extract_strided_slice %get3A_45 {offsets = [6, 0], sizes = [1, 32], strides = [1, 1]} : vector<12x32xf32> to vector<1x32xf32>
      %squeeze3A_385 = vector.shape_cast %slice3A_384 : vector<1x32xf32> to vector<32xf32>
      %broadcast_in_dim3A_386 = vector.shape_cast %squeeze3A_385 : vector<32xf32> to vector<1x32xf32>
      %add3A_387 = vector.broadcast %broadcast_in_dim3A_386 : vector<1x32xf32> to vector<64x32xf32>
      %add3A_388 = arith.addf %dot_general3A_383, %add3A_387 : vector<64x32xf32>
      %slice3A_389 = vector.extract_strided_slice %add3A_388 {offsets = [0, 0], sizes = [64, 8], strides = [1, 1]} : vector<64x32xf32> to vector<64x8xf32>
      %logistic3A_390 = arith.negf %slice3A_389 : vector<64x8xf32>
      %logistic3A_391 = math.exp %logistic3A_390 : vector<64x8xf32>
      %logistic3A_392 = arith.constant 1.000000e+00 : f32
      %logistic3A_393 = vector.broadcast %logistic3A_392 : f32 to vector<64x8xf32>
      %logistic3A_394 = arith.addf %logistic3A_393, %logistic3A_391 : vector<64x8xf32>
      %logistic3A_395 = arith.divf %logistic3A_393, %logistic3A_394 : vector<64x8xf32>
      %slice3A_396 = vector.extract_strided_slice %add3A_388 {offsets = [0, 8], sizes = [64, 8], strides = [1, 1]} : vector<64x32xf32> to vector<64x8xf32>
      %logistic3A_397 = arith.negf %slice3A_396 : vector<64x8xf32>
      %logistic3A_398 = math.exp %logistic3A_397 : vector<64x8xf32>
      %logistic3A_399 = arith.constant 1.000000e+00 : f32
      %logistic3A_400 = vector.broadcast %logistic3A_399 : f32 to vector<64x8xf32>
      %logistic3A_401 = arith.addf %logistic3A_400, %logistic3A_398 : vector<64x8xf32>
      %logistic3A_402 = arith.divf %logistic3A_400, %logistic3A_401 : vector<64x8xf32>
      %slice3A_403 = vector.extract_strided_slice %add3A_388 {offsets = [0, 16], sizes = [64, 8], strides = [1, 1]} : vector<64x32xf32> to vector<64x8xf32>
      %tanh3A_404 = math.tanh %slice3A_403 : vector<64x8xf32>
      %slice3A_405 = vector.extract_strided_slice %add3A_388 {offsets = [0, 24], sizes = [64, 8], strides = [1, 1]} : vector<64x32xf32> to vector<64x8xf32>
      %logistic3A_406 = arith.negf %slice3A_405 : vector<64x8xf32>
      %logistic3A_407 = math.exp %logistic3A_406 : vector<64x8xf32>
      %logistic3A_408 = arith.constant 1.000000e+00 : f32
      %logistic3A_409 = vector.broadcast %logistic3A_408 : f32 to vector<64x8xf32>
      %logistic3A_410 = arith.addf %logistic3A_409, %logistic3A_407 : vector<64x8xf32>
      %logistic3A_411 = arith.divf %logistic3A_409, %logistic3A_410 : vector<64x8xf32>
      %mul3A_412 = arith.mulf %logistic3A_402, %scan3A_152 : vector<64x8xf32>
      %mul3A_413 = arith.mulf %logistic3A_395, %tanh3A_404 : vector<64x8xf32>
      %add3A_414 = arith.addf %mul3A_412, %mul3A_413 : vector<64x8xf32>
      %tanh3A_415 = math.tanh %add3A_414 : vector<64x8xf32>
      %mul3A_416 = arith.mulf %logistic3A_411, %tanh3A_415 : vector<64x8xf32>
      %slice3A_417 = vector.extract_strided_slice %get3A_42 {offsets = [6, 0, 0], sizes = [1, 16, 32], strides = [1, 1, 1]} : vector<11x16x32xf32> to vector<1x16x32xf32>
      %squeeze3A_418 = vector.shape_cast %slice3A_417 : vector<1x16x32xf32> to vector<16x32xf32>
      %concatenate3A_419 = tpu.concatenate %mul3A_416, %scan3A_141 in 1 : vector<64x8xf32>, vector<64x8xf32> -> vector<64x16xf32>
      %dot_general3A_420 = arith.constant dense<0.000000e+00> : vector<64x32xf32>
      %dot_general3A_421 = tpu.matmul %concatenate3A_419, %squeeze3A_418, %dot_general3A_420 {dimension_numbers = #tpu.dot_dimension_numbers<[1], [0], [0], [1], [0, 0, 1, 1], [], []>, transpose_lhs_hint = false} : vector<64x16xf32>, vector<16x32xf32>, vector<64x32xf32> -> vector<64x32xf32>
      %slice3A_422 = vector.extract_strided_slice %get3A_45 {offsets = [7, 0], sizes = [1, 32], strides = [1, 1]} : vector<12x32xf32> to vector<1x32xf32>
      %squeeze3A_423 = vector.shape_cast %slice3A_422 : vector<1x32xf32> to vector<32xf32>
      %broadcast_in_dim3A_424 = vector.shape_cast %squeeze3A_423 : vector<32xf32> to vector<1x32xf32>
      %add3A_425 = vector.broadcast %broadcast_in_dim3A_424 : vector<1x32xf32> to vector<64x32xf32>
      %add3A_426 = arith.addf %dot_general3A_421, %add3A_425 : vector<64x32xf32>
      %slice3A_427 = vector.extract_strided_slice %add3A_426 {offsets = [0, 0], sizes = [64, 8], strides = [1, 1]} : vector<64x32xf32> to vector<64x8xf32>
      %logistic3A_428 = arith.negf %slice3A_427 : vector<64x8xf32>
      %logistic3A_429 = math.exp %logistic3A_428 : vector<64x8xf32>
      %logistic3A_430 = arith.constant 1.000000e+00 : f32
      %logistic3A_431 = vector.broadcast %logistic3A_430 : f32 to vector<64x8xf32>
      %logistic3A_432 = arith.addf %logistic3A_431, %logistic3A_429 : vector<64x8xf32>
      %logistic3A_433 = arith.divf %logistic3A_431, %logistic3A_432 : vector<64x8xf32>
      %slice3A_434 = vector.extract_strided_slice %add3A_426 {offsets = [0, 8], sizes = [64, 8], strides = [1, 1]} : vector<64x32xf32> to vector<64x8xf32>
      %logistic3A_435 = arith.negf %slice3A_434 : vector<64x8xf32>
      %logistic3A_436 = math.exp %logistic3A_435 : vector<64x8xf32>
      %logistic3A_437 = arith.constant 1.000000e+00 : f32
      %logistic3A_438 = vector.broadcast %logistic3A_437 : f32 to vector<64x8xf32>
      %logistic3A_439 = arith.addf %logistic3A_438, %logistic3A_436 : vector<64x8xf32>
      %logistic3A_440 = arith.divf %logistic3A_438, %logistic3A_439 : vector<64x8xf32>
      %slice3A_441 = vector.extract_strided_slice %add3A_426 {offsets = [0, 16], sizes = [64, 8], strides = [1, 1]} : vector<64x32xf32> to vector<64x8xf32>
      %tanh3A_442 = math.tanh %slice3A_441 : vector<64x8xf32>
      %slice3A_443 = vector.extract_strided_slice %add3A_426 {offsets = [0, 24], sizes = [64, 8], strides = [1, 1]} : vector<64x32xf32> to vector<64x8xf32>
      %logistic3A_444 = arith.negf %slice3A_443 : vector<64x8xf32>
      %logistic3A_445 = math.exp %logistic3A_444 : vector<64x8xf32>
      %logistic3A_446 = arith.constant 1.000000e+00 : f32
      %logistic3A_447 = vector.broadcast %logistic3A_446 : f32 to vector<64x8xf32>
      %logistic3A_448 = arith.addf %logistic3A_447, %logistic3A_445 : vector<64x8xf32>
      %logistic3A_449 = arith.divf %logistic3A_447, %logistic3A_448 : vector<64x8xf32>
      %mul3A_450 = arith.mulf %logistic3A_440, %scan3A_153 : vector<64x8xf32>
      %mul3A_451 = arith.mulf %logistic3A_433, %tanh3A_442 : vector<64x8xf32>
      %add3A_452 = arith.addf %mul3A_450, %mul3A_451 : vector<64x8xf32>
      %tanh3A_453 = math.tanh %add3A_452 : vector<64x8xf32>
      %mul3A_454 = arith.mulf %logistic3A_449, %tanh3A_453 : vector<64x8xf32>
      %slice3A_455 = vector.extract_strided_slice %get3A_42 {offsets = [7, 0, 0], sizes = [1, 16, 32], strides = [1, 1, 1]} : vector<11x16x32xf32> to vector<1x16x32xf32>
      %squeeze3A_456 = vector.shape_cast %slice3A_455 : vector<1x16x32xf32> to vector<16x32xf32>
      %concatenate3A_457 = tpu.concatenate %mul3A_454, %scan3A_142 in 1 : vector<64x8xf32>, vector<64x8xf32> -> vector<64x16xf32>
      %dot_general3A_458 = arith.constant dense<0.000000e+00> : vector<64x32xf32>
      %dot_general3A_459 = tpu.matmul %concatenate3A_457, %squeeze3A_456, %dot_general3A_458 {dimension_numbers = #tpu.dot_dimension_numbers<[1], [0], [0], [1], [0, 0, 1, 1], [], []>, transpose_lhs_hint = false} : vector<64x16xf32>, vector<16x32xf32>, vector<64x32xf32> -> vector<64x32xf32>
      %slice3A_460 = vector.extract_strided_slice %get3A_45 {offsets = [8, 0], sizes = [1, 32], strides = [1, 1]} : vector<12x32xf32> to vector<1x32xf32>
      %squeeze3A_461 = vector.shape_cast %slice3A_460 : vector<1x32xf32> to vector<32xf32>
      %broadcast_in_dim3A_462 = vector.shape_cast %squeeze3A_461 : vector<32xf32> to vector<1x32xf32>
      %add3A_463 = vector.broadcast %broadcast_in_dim3A_462 : vector<1x32xf32> to vector<64x32xf32>
      %add3A_464 = arith.addf %dot_general3A_459, %add3A_463 : vector<64x32xf32>
      %slice3A_465 = vector.extract_strided_slice %add3A_464 {offsets = [0, 0], sizes = [64, 8], strides = [1, 1]} : vector<64x32xf32> to vector<64x8xf32>
      %logistic3A_466 = arith.negf %slice3A_465 : vector<64x8xf32>
      %logistic3A_467 = math.exp %logistic3A_466 : vector<64x8xf32>
      %logistic3A_468 = arith.constant 1.000000e+00 : f32
      %logistic3A_469 = vector.broadcast %logistic3A_468 : f32 to vector<64x8xf32>
      %logistic3A_470 = arith.addf %logistic3A_469, %logistic3A_467 : vector<64x8xf32>
      %logistic3A_471 = arith.divf %logistic3A_469, %logistic3A_470 : vector<64x8xf32>
      %slice3A_472 = vector.extract_strided_slice %add3A_464 {offsets = [0, 8], sizes = [64, 8], strides = [1, 1]} : vector<64x32xf32> to vector<64x8xf32>
      %logistic3A_473 = arith.negf %slice3A_472 : vector<64x8xf32>
      %logistic3A_474 = math.exp %logistic3A_473 : vector<64x8xf32>
      %logistic3A_475 = arith.constant 1.000000e+00 : f32
      %logistic3A_476 = vector.broadcast %logistic3A_475 : f32 to vector<64x8xf32>
      %logistic3A_477 = arith.addf %logistic3A_476, %logistic3A_474 : vector<64x8xf32>
      %logistic3A_478 = arith.divf %logistic3A_476, %logistic3A_477 : vector<64x8xf32>
      %slice3A_479 = vector.extract_strided_slice %add3A_464 {offsets = [0, 16], sizes = [64, 8], strides = [1, 1]} : vector<64x32xf32> to vector<64x8xf32>
      %tanh3A_480 = math.tanh %slice3A_479 : vector<64x8xf32>
      %slice3A_481 = vector.extract_strided_slice %add3A_464 {offsets = [0, 24], sizes = [64, 8], strides = [1, 1]} : vector<64x32xf32> to vector<64x8xf32>
      %logistic3A_482 = arith.negf %slice3A_481 : vector<64x8xf32>
      %logistic3A_483 = math.exp %logistic3A_482 : vector<64x8xf32>
      %logistic3A_484 = arith.constant 1.000000e+00 : f32
      %logistic3A_485 = vector.broadcast %logistic3A_484 : f32 to vector<64x8xf32>
      %logistic3A_486 = arith.addf %logistic3A_485, %logistic3A_483 : vector<64x8xf32>
      %logistic3A_487 = arith.divf %logistic3A_485, %logistic3A_486 : vector<64x8xf32>
      %mul3A_488 = arith.mulf %logistic3A_478, %scan3A_154 : vector<64x8xf32>
      %mul3A_489 = arith.mulf %logistic3A_471, %tanh3A_480 : vector<64x8xf32>
      %add3A_490 = arith.addf %mul3A_488, %mul3A_489 : vector<64x8xf32>
      %tanh3A_491 = math.tanh %add3A_490 : vector<64x8xf32>
      %mul3A_492 = arith.mulf %logistic3A_487, %tanh3A_491 : vector<64x8xf32>
      %slice3A_493 = vector.extract_strided_slice %get3A_42 {offsets = [8, 0, 0], sizes = [1, 16, 32], strides = [1, 1, 1]} : vector<11x16x32xf32> to vector<1x16x32xf32>
      %squeeze3A_494 = vector.shape_cast %slice3A_493 : vector<1x16x32xf32> to vector<16x32xf32>
      %concatenate3A_495 = tpu.concatenate %mul3A_492, %scan3A_143 in 1 : vector<64x8xf32>, vector<64x8xf32> -> vector<64x16xf32>
      %dot_general3A_496 = arith.constant dense<0.000000e+00> : vector<64x32xf32>
      %dot_general3A_497 = tpu.matmul %concatenate3A_495, %squeeze3A_494, %dot_general3A_496 {dimension_numbers = #tpu.dot_dimension_numbers<[1], [0], [0], [1], [0, 0, 1, 1], [], []>, transpose_lhs_hint = false} : vector<64x16xf32>, vector<16x32xf32>, vector<64x32xf32> -> vector<64x32xf32>
      %slice3A_498 = vector.extract_strided_slice %get3A_45 {offsets = [9, 0], sizes = [1, 32], strides = [1, 1]} : vector<12x32xf32> to vector<1x32xf32>
      %squeeze3A_499 = vector.shape_cast %slice3A_498 : vector<1x32xf32> to vector<32xf32>
      %broadcast_in_dim3A_500 = vector.shape_cast %squeeze3A_499 : vector<32xf32> to vector<1x32xf32>
      %add3A_501 = vector.broadcast %broadcast_in_dim3A_500 : vector<1x32xf32> to vector<64x32xf32>
      %add3A_502 = arith.addf %dot_general3A_497, %add3A_501 : vector<64x32xf32>
      %slice3A_503 = vector.extract_strided_slice %add3A_502 {offsets = [0, 0], sizes = [64, 8], strides = [1, 1]} : vector<64x32xf32> to vector<64x8xf32>
      %logistic3A_504 = arith.negf %slice3A_503 : vector<64x8xf32>
      %logistic3A_505 = math.exp %logistic3A_504 : vector<64x8xf32>
      %logistic3A_506 = arith.constant 1.000000e+00 : f32
      %logistic3A_507 = vector.broadcast %logistic3A_506 : f32 to vector<64x8xf32>
      %logistic3A_508 = arith.addf %logistic3A_507, %logistic3A_505 : vector<64x8xf32>
      %logistic3A_509 = arith.divf %logistic3A_507, %logistic3A_508 : vector<64x8xf32>
      %slice3A_510 = vector.extract_strided_slice %add3A_502 {offsets = [0, 8], sizes = [64, 8], strides = [1, 1]} : vector<64x32xf32> to vector<64x8xf32>
      %logistic3A_511 = arith.negf %slice3A_510 : vector<64x8xf32>
      %logistic3A_512 = math.exp %logistic3A_511 : vector<64x8xf32>
      %logistic3A_513 = arith.constant 1.000000e+00 : f32
      %logistic3A_514 = vector.broadcast %logistic3A_513 : f32 to vector<64x8xf32>
      %logistic3A_515 = arith.addf %logistic3A_514, %logistic3A_512 : vector<64x8xf32>
      %logistic3A_516 = arith.divf %logistic3A_514, %logistic3A_515 : vector<64x8xf32>
      %slice3A_517 = vector.extract_strided_slice %add3A_502 {offsets = [0, 16], sizes = [64, 8], strides = [1, 1]} : vector<64x32xf32> to vector<64x8xf32>
      %tanh3A_518 = math.tanh %slice3A_517 : vector<64x8xf32>
      %slice3A_519 = vector.extract_strided_slice %add3A_502 {offsets = [0, 24], sizes = [64, 8], strides = [1, 1]} : vector<64x32xf32> to vector<64x8xf32>
      %logistic3A_520 = arith.negf %slice3A_519 : vector<64x8xf32>
      %logistic3A_521 = math.exp %logistic3A_520 : vector<64x8xf32>
      %logistic3A_522 = arith.constant 1.000000e+00 : f32
      %logistic3A_523 = vector.broadcast %logistic3A_522 : f32 to vector<64x8xf32>
      %logistic3A_524 = arith.addf %logistic3A_523, %logistic3A_521 : vector<64x8xf32>
      %logistic3A_525 = arith.divf %logistic3A_523, %logistic3A_524 : vector<64x8xf32>
      %mul3A_526 = arith.mulf %logistic3A_516, %scan3A_155 : vector<64x8xf32>
      %mul3A_527 = arith.mulf %logistic3A_509, %tanh3A_518 : vector<64x8xf32>
      %add3A_528 = arith.addf %mul3A_526, %mul3A_527 : vector<64x8xf32>
      %tanh3A_529 = math.tanh %add3A_528 : vector<64x8xf32>
      %mul3A_530 = arith.mulf %logistic3A_525, %tanh3A_529 : vector<64x8xf32>
      %slice3A_531 = vector.extract_strided_slice %get3A_42 {offsets = [9, 0, 0], sizes = [1, 16, 32], strides = [1, 1, 1]} : vector<11x16x32xf32> to vector<1x16x32xf32>
      %squeeze3A_532 = vector.shape_cast %slice3A_531 : vector<1x16x32xf32> to vector<16x32xf32>
      %concatenate3A_533 = tpu.concatenate %mul3A_530, %scan3A_144 in 1 : vector<64x8xf32>, vector<64x8xf32> -> vector<64x16xf32>
      %dot_general3A_534 = arith.constant dense<0.000000e+00> : vector<64x32xf32>
      %dot_general3A_535 = tpu.matmul %concatenate3A_533, %squeeze3A_532, %dot_general3A_534 {dimension_numbers = #tpu.dot_dimension_numbers<[1], [0], [0], [1], [0, 0, 1, 1], [], []>, transpose_lhs_hint = false} : vector<64x16xf32>, vector<16x32xf32>, vector<64x32xf32> -> vector<64x32xf32>
      %slice3A_536 = vector.extract_strided_slice %get3A_45 {offsets = [10, 0], sizes = [1, 32], strides = [1, 1]} : vector<12x32xf32> to vector<1x32xf32>
      %squeeze3A_537 = vector.shape_cast %slice3A_536 : vector<1x32xf32> to vector<32xf32>
      %broadcast_in_dim3A_538 = vector.shape_cast %squeeze3A_537 : vector<32xf32> to vector<1x32xf32>
      %add3A_539 = vector.broadcast %broadcast_in_dim3A_538 : vector<1x32xf32> to vector<64x32xf32>
      %add3A_540 = arith.addf %dot_general3A_535, %add3A_539 : vector<64x32xf32>
      %slice3A_541 = vector.extract_strided_slice %add3A_540 {offsets = [0, 0], sizes = [64, 8], strides = [1, 1]} : vector<64x32xf32> to vector<64x8xf32>
      %logistic3A_542 = arith.negf %slice3A_541 : vector<64x8xf32>
      %logistic3A_543 = math.exp %logistic3A_542 : vector<64x8xf32>
      %logistic3A_544 = arith.constant 1.000000e+00 : f32
      %logistic3A_545 = vector.broadcast %logistic3A_544 : f32 to vector<64x8xf32>
      %logistic3A_546 = arith.addf %logistic3A_545, %logistic3A_543 : vector<64x8xf32>
      %logistic3A_547 = arith.divf %logistic3A_545, %logistic3A_546 : vector<64x8xf32>
      %slice3A_548 = vector.extract_strided_slice %add3A_540 {offsets = [0, 8], sizes = [64, 8], strides = [1, 1]} : vector<64x32xf32> to vector<64x8xf32>
      %logistic3A_549 = arith.negf %slice3A_548 : vector<64x8xf32>
      %logistic3A_550 = math.exp %logistic3A_549 : vector<64x8xf32>
      %logistic3A_551 = arith.constant 1.000000e+00 : f32
      %logistic3A_552 = vector.broadcast %logistic3A_551 : f32 to vector<64x8xf32>
      %logistic3A_553 = arith.addf %logistic3A_552, %logistic3A_550 : vector<64x8xf32>
      %logistic3A_554 = arith.divf %logistic3A_552, %logistic3A_553 : vector<64x8xf32>
      %slice3A_555 = vector.extract_strided_slice %add3A_540 {offsets = [0, 16], sizes = [64, 8], strides = [1, 1]} : vector<64x32xf32> to vector<64x8xf32>
      %tanh3A_556 = math.tanh %slice3A_555 : vector<64x8xf32>
      %slice3A_557 = vector.extract_strided_slice %add3A_540 {offsets = [0, 24], sizes = [64, 8], strides = [1, 1]} : vector<64x32xf32> to vector<64x8xf32>
      %logistic3A_558 = arith.negf %slice3A_557 : vector<64x8xf32>
      %logistic3A_559 = math.exp %logistic3A_558 : vector<64x8xf32>
      %logistic3A_560 = arith.constant 1.000000e+00 : f32
      %logistic3A_561 = vector.broadcast %logistic3A_560 : f32 to vector<64x8xf32>
      %logistic3A_562 = arith.addf %logistic3A_561, %logistic3A_559 : vector<64x8xf32>
      %logistic3A_563 = arith.divf %logistic3A_561, %logistic3A_562 : vector<64x8xf32>
      %mul3A_564 = arith.mulf %logistic3A_554, %scan3A_156 : vector<64x8xf32>
      %mul3A_565 = arith.mulf %logistic3A_547, %tanh3A_556 : vector<64x8xf32>
      %add3A_566 = arith.addf %mul3A_564, %mul3A_565 : vector<64x8xf32>
      %tanh3A_567 = math.tanh %add3A_566 : vector<64x8xf32>
      %mul3A_568 = arith.mulf %logistic3A_563, %tanh3A_567 : vector<64x8xf32>
      %slice3A_569 = vector.extract_strided_slice %get3A_42 {offsets = [10, 0, 0], sizes = [1, 16, 32], strides = [1, 1, 1]} : vector<11x16x32xf32> to vector<1x16x32xf32>
      %squeeze3A_570 = vector.shape_cast %slice3A_569 : vector<1x16x32xf32> to vector<16x32xf32>
      %concatenate3A_571 = tpu.concatenate %mul3A_568, %scan3A_145 in 1 : vector<64x8xf32>, vector<64x8xf32> -> vector<64x16xf32>
      %dot_general3A_572 = arith.constant dense<0.000000e+00> : vector<64x32xf32>
      %dot_general3A_573 = tpu.matmul %concatenate3A_571, %squeeze3A_570, %dot_general3A_572 {dimension_numbers = #tpu.dot_dimension_numbers<[1], [0], [0], [1], [0, 0, 1, 1], [], []>, transpose_lhs_hint = false} : vector<64x16xf32>, vector<16x32xf32>, vector<64x32xf32> -> vector<64x32xf32>
      %slice3A_574 = vector.extract_strided_slice %get3A_45 {offsets = [11, 0], sizes = [1, 32], strides = [1, 1]} : vector<12x32xf32> to vector<1x32xf32>
      %squeeze3A_575 = vector.shape_cast %slice3A_574 : vector<1x32xf32> to vector<32xf32>
      %broadcast_in_dim3A_576 = vector.shape_cast %squeeze3A_575 : vector<32xf32> to vector<1x32xf32>
      %add3A_577 = vector.broadcast %broadcast_in_dim3A_576 : vector<1x32xf32> to vector<64x32xf32>
      %add3A_578 = arith.addf %dot_general3A_573, %add3A_577 : vector<64x32xf32>
      %slice3A_579 = vector.extract_strided_slice %add3A_578 {offsets = [0, 0], sizes = [64, 8], strides = [1, 1]} : vector<64x32xf32> to vector<64x8xf32>
      %logistic3A_580 = arith.negf %slice3A_579 : vector<64x8xf32>
      %logistic3A_581 = math.exp %logistic3A_580 : vector<64x8xf32>
      %logistic3A_582 = arith.constant 1.000000e+00 : f32
      %logistic3A_583 = vector.broadcast %logistic3A_582 : f32 to vector<64x8xf32>
      %logistic3A_584 = arith.addf %logistic3A_583, %logistic3A_581 : vector<64x8xf32>
      %logistic3A_585 = arith.divf %logistic3A_583, %logistic3A_584 : vector<64x8xf32>
      %slice3A_586 = vector.extract_strided_slice %add3A_578 {offsets = [0, 8], sizes = [64, 8], strides = [1, 1]} : vector<64x32xf32> to vector<64x8xf32>
      %logistic3A_587 = arith.negf %slice3A_586 : vector<64x8xf32>
      %logistic3A_588 = math.exp %logistic3A_587 : vector<64x8xf32>
      %logistic3A_589 = arith.constant 1.000000e+00 : f32
      %logistic3A_590 = vector.broadcast %logistic3A_589 : f32 to vector<64x8xf32>
      %logistic3A_591 = arith.addf %logistic3A_590, %logistic3A_588 : vector<64x8xf32>
      %logistic3A_592 = arith.divf %logistic3A_590, %logistic3A_591 : vector<64x8xf32>
      %slice3A_593 = vector.extract_strided_slice %add3A_578 {offsets = [0, 16], sizes = [64, 8], strides = [1, 1]} : vector<64x32xf32> to vector<64x8xf32>
      %tanh3A_594 = math.tanh %slice3A_593 : vector<64x8xf32>
      %slice3A_595 = vector.extract_strided_slice %add3A_578 {offsets = [0, 24], sizes = [64, 8], strides = [1, 1]} : vector<64x32xf32> to vector<64x8xf32>
      %logistic3A_596 = arith.negf %slice3A_595 : vector<64x8xf32>
      %logistic3A_597 = math.exp %logistic3A_596 : vector<64x8xf32>
      %logistic3A_598 = arith.constant 1.000000e+00 : f32
      %logistic3A_599 = vector.broadcast %logistic3A_598 : f32 to vector<64x8xf32>
      %logistic3A_600 = arith.addf %logistic3A_599, %logistic3A_597 : vector<64x8xf32>
      %logistic3A_601 = arith.divf %logistic3A_599, %logistic3A_600 : vector<64x8xf32>
      %mul3A_602 = arith.mulf %logistic3A_592, %scan3A_157 : vector<64x8xf32>
      %mul3A_603 = arith.mulf %logistic3A_585, %tanh3A_594 : vector<64x8xf32>
      %add3A_604 = arith.addf %mul3A_602, %mul3A_603 : vector<64x8xf32>
      %tanh3A_605 = math.tanh %add3A_604 : vector<64x8xf32>
      %mul3A_606 = arith.mulf %logistic3A_601, %tanh3A_605 : vector<64x8xf32>
      %transpose3A_607 = tpu.transpose %mul3A_606, [1, 0] : vector<64x8xf32> -> vector<8x64xf32>
      %dot_general3A_608 = arith.constant dense<0.000000e+00> : vector<8x10240xf32>
      %dot_general3A_609 = tpu.matmul %transpose3A_607, %convert_element_type3A_29, %dot_general3A_608 {dimension_numbers = #tpu.dot_dimension_numbers<[1], [0], [0], [1], [0, 0, 1, 1], [], []>, transpose_lhs_hint = false} : vector<8x64xf32>, vector<64x10240xf32>, vector<8x10240xf32> -> vector<8x10240xf32>
      %mul3A_610 = arith.mulf %add3A_18, %dot_general3A_609 : vector<8x10240xf32>
      %reduce_sum3A_611 = arith.constant dense<0.000000e+00> : vector<10240xf32>
      %reduce_sum3A_612 = vector.multi_reduction <add>, %mul3A_610, %reduce_sum3A_611 [0] : vector<8x10240xf32> to vector<10240xf32>
      %broadcast_in_dim3A_613 = vector.shape_cast %reduce_sum3A_612 : vector<10240xf32> to vector<1x10240xf32>
      %broadcast_in_dim3A_614 = vector.shape_cast %broadcast_in_dim3A_613 : vector<1x10240xf32> to vector<1x10240xf32>
      %broadcast_in_dim3A_615 = vector.broadcast %broadcast_in_dim3A_614 : vector<1x10240xf32> to vector<64x10240xf32>
      %broadcast_in_dim3A_616 = vector.broadcast %scan3A : f32 to vector<64x10240xf32>
      %select_n3A = arith.select %eq3A_28, %broadcast_in_dim3A_615, %broadcast_in_dim3A_616 : vector<64x10240xi1>, vector<64x10240xf32>
      %reduce_max3A_617 = arith.constant dense<0xFF800000> : vector<64xf32>
      %reduce_max3A_618 = vector.multi_reduction <maximumf>, %select_n3A, %reduce_max3A_617 [1] : vector<64x10240xf32> to vector<64xf32>
      %broadcast_in_dim3A_619 = vector.shape_cast %reduce_max3A_618 : vector<64xf32> to vector<64x1xf32>
      %eq3A_620 = vector.broadcast %scan3A : f32 to vector<64x1xf32>
      %eq3A_621 = arith.cmpf oeq, %broadcast_in_dim3A_619, %eq3A_620 : vector<64x1xf32>
      %jit3A = arith.constant 0.000000e+00 : f32
      %broadcast_in_dim3A_622 = vector.broadcast %jit3A : f32 to vector<64x1xf32>
      %select_n3A_623 = arith.select %eq3A_621, %broadcast_in_dim3A_622, %broadcast_in_dim3A_619 : vector<64x1xi1>, vector<64x1xf32>
      %transpose3A_624 = tpu.transpose %select_n3A_623, [1, 0] : vector<64x1xf32> -> vector<1x64xf32>
      %dot_general3A_625 = arith.constant dense<0.000000e+00> : vector<1x10240xf32>
      %dot_general3A_626 = tpu.matmul %transpose3A_624, %convert_element_type3A_29, %dot_general3A_625 {dimension_numbers = #tpu.dot_dimension_numbers<[1], [0], [0], [1], [0, 0, 1, 1], [], []>, transpose_lhs_hint = false} : vector<1x64xf32>, vector<64x10240xf32>, vector<1x10240xf32> -> vector<1x10240xf32>
      %sub3A_627 = arith.subf %broadcast_in_dim3A_613, %dot_general3A_626 : vector<1x10240xf32>
      %exp3A_628 = math.exp %sub3A_627 : vector<1x10240xf32>
      %mul3A_629 = arith.mulf %exp3A_628, %convert_element_type3A_35 : vector<1x10240xf32>
      %mul3A_630 = vector.broadcast %mul3A_629 : vector<1x10240xf32> to vector<9x10240xf32>
      %mul3A_631 = arith.mulf %mul3A_630, %concatenate3A_21 : vector<9x10240xf32>
      %dot_general3A_632 = arith.constant dense<0.000000e+00> : vector<9x64xf32>
      %dot_general3A_633 = tpu.matmul %mul3A_631, %transpose3A_30, %dot_general3A_632 {dimension_numbers = #tpu.dot_dimension_numbers<[1], [0], [0], [1], [0, 0, 1, 1], [], []>, transpose_lhs_hint = false} : vector<9x10240xf32>, vector<10240x64xf32>, vector<9x64xf32> -> vector<9x64xf32>
      %slice3A_634 = vector.extract_strided_slice %dot_general3A_633 {offsets = [0, 0], sizes = [8, 64], strides = [1, 1]} : vector<9x64xf32> to vector<8x64xf32>
      %slice3A_635 = vector.extract_strided_slice %dot_general3A_633 {offsets = [8, 0], sizes = [1, 64], strides = [1, 1]} : vector<9x64xf32> to vector<1x64xf32>
      %add3A_636 = arith.constant 1.000000e-16 : f32
      %add3A_637 = vector.broadcast %add3A_636 : f32 to vector<1x64xf32>
      %add3A_638 = arith.addf %slice3A_635, %add3A_637 : vector<1x64xf32>
      %div3A = vector.broadcast %add3A_638 : vector<1x64xf32> to vector<8x64xf32>
      %div3A_639 = arith.divf %slice3A_634, %div3A : vector<8x64xf32>
      %transpose3A_640 = tpu.transpose %div3A_639, [1, 0] : vector<8x64xf32> -> vector<64x8xf32>
      %concatenate3A_641 = tpu.concatenate %mul3A_606, %transpose3A_640 in 1 : vector<64x8xf32>, vector<64x8xf32> -> vector<64x16xf32>
      scf.yield %concatenate3A_641, %mul3A_188, %mul3A_226, %mul3A_264, %mul3A_302, %mul3A_340, %mul3A_378, %mul3A_416, %mul3A_454, %mul3A_492, %mul3A_530, %mul3A_568, %mul3A_606, %add3A_186, %add3A_224, %add3A_262, %add3A_300, %add3A_338, %add3A_376, %add3A_414, %add3A_452, %add3A_490, %add3A_528, %add3A_566, %add3A_604 : vector<64x16xf32>, vector<64x8xf32>, vector<64x8xf32>, vector<64x8xf32>, vector<64x8xf32>, vector<64x8xf32>, vector<64x8xf32>, vector<64x8xf32>, vector<64x8xf32>, vector<64x8xf32>, vector<64x8xf32>, vector<64x8xf32>, vector<64x8xf32>, vector<64x8xf32>, vector<64x8xf32>, vector<64x8xf32>, vector<64x8xf32>, vector<64x8xf32>, vector<64x8xf32>, vector<64x8xf32>, vector<64x8xf32>, vector<64x8xf32>, vector<64x8xf32>, vector<64x8xf32>, vector<64x8xf32>
    }
    %get3A_101 = arith.constant 0 : index
    %get3A_102 = arith.constant 0 : index
    %get3A_103 = vector.load %arg7[%get3A_101, %get3A_102] : memref<16x16xf32, #tpu.memory_space<vmem>>, vector<16x16xf32>
    %dot_general3A = arith.constant dense<0.000000e+00> : vector<64x16xf32>
    %dot_general3A_104 = tpu.matmul %scan3A_100#0, %get3A_103, %dot_general3A {dimension_numbers = #tpu.dot_dimension_numbers<[1], [0], [0], [1], [0, 0, 1, 1], [], []>, transpose_lhs_hint = false} : vector<64x16xf32>, vector<16x16xf32>, vector<64x16xf32> -> vector<64x16xf32>
    %get3A_105 = arith.constant 0 : index
    %get3A_106 = arith.constant 0 : index
    %get3A_107 = vector.load %arg8[%get3A_105, %get3A_106] : memref<1x16xf32, #tpu.memory_space<vmem>>, vector<1x16xf32>
    %add3A_108 = vector.broadcast %get3A_107 : vector<1x16xf32> to vector<64x16xf32>
    %add3A_109 = arith.addf %dot_general3A_104, %add3A_108 : vector<64x16xf32>
    %max3A = arith.constant 0.000000e+00 : f32
    %max3A_110 = vector.broadcast %max3A : f32 to vector<64x16xf32>
    %max3A_111 = arith.maximumf %add3A_109, %max3A_110 : vector<64x16xf32>
    %get3A_112 = arith.constant 0 : index
    %get3A_113 = arith.constant 0 : index
    %get3A_114 = vector.load %arg9[%get3A_112, %get3A_113] : memref<16x10xf32, #tpu.memory_space<vmem>>, vector<16x10xf32>
    %dot_general3A_115 = arith.constant dense<0.000000e+00> : vector<64x10xf32>
    %dot_general3A_116 = tpu.matmul %max3A_111, %get3A_114, %dot_general3A_115 {dimension_numbers = #tpu.dot_dimension_numbers<[1], [0], [0], [1], [0, 0, 1, 1], [], []>, transpose_lhs_hint = false} : vector<64x16xf32>, vector<16x10xf32>, vector<64x10xf32> -> vector<64x10xf32>
    %get3A_117 = arith.constant 0 : index
    %get3A_118 = arith.constant 0 : index
    %get3A_119 = vector.load %arg10[%get3A_117, %get3A_118] : memref<1x10xf32, #tpu.memory_space<vmem>>, vector<1x10xf32>
    %add3A_120 = vector.broadcast %get3A_119 : vector<1x10xf32> to vector<64x10xf32>
    %add3A_121 = arith.addf %dot_general3A_116, %add3A_120 : vector<64x10xf32>
    %reduce_max3A = arith.constant dense<0xFF800000> : vector<64xf32>
    %reduce_max3A_122 = vector.multi_reduction <maximumf>, %add3A_121, %reduce_max3A [1] : vector<64x10xf32> to vector<64xf32>
    %broadcast_in_dim3A_123 = vector.shape_cast %reduce_max3A_122 : vector<64xf32> to vector<64x1xf32>
    %sub3A = vector.broadcast %broadcast_in_dim3A_123 : vector<64x1xf32> to vector<64x10xf32>
    %sub3A_124 = arith.subf %add3A_121, %sub3A : vector<64x10xf32>
    %exp3A = math.exp %sub3A_124 : vector<64x10xf32>
    %reduce_sum3A = arith.constant dense<0.000000e+00> : vector<64xf32>
    %reduce_sum3A_125 = vector.multi_reduction <add>, %exp3A, %reduce_sum3A [1] : vector<64x10xf32> to vector<64xf32>
    %broadcast_in_dim3A_126 = vector.shape_cast %reduce_sum3A_125 : vector<64xf32> to vector<64x1xf32>
    %log3A = math.log %broadcast_in_dim3A_126 : vector<64x1xf32>
    %add3A_127 = arith.addf %broadcast_in_dim3A_123, %log3A : vector<64x1xf32>
    %sub3A_128 = vector.broadcast %add3A_127 : vector<64x1xf32> to vector<64x10xf32>
    %sub3A_129 = arith.subf %add3A_121, %sub3A_128 : vector<64x10xf32>
    %swap3A = arith.constant 0 : index
    %swap3A_130 = arith.constant 0 : index
    %swap3A_131 = vector.load %arg11[%swap3A, %swap3A_130] : memref<64x10xf32, #tpu.memory_space<vmem>>, vector<64x10xf32>
    tpu.vector_store %arg11[%swap3A, %swap3A_130], %sub3A_129 {strides = array<i32>} : memref<64x10xf32, #tpu.memory_space<vmem>>, vector<64x10xf32>,
    return
  }
}

</mosaic_0001>

<sc_bundles>
// kernel: kernel.5.cloned.1.call-start
scs
__scs_entry_jumppad:
0x0: {  	(pc) =	sbr.rel $0x88, $3  }
0x1: {  	(tag) =	ssettag $0x0;
	lr =	simm.s32 $0x1  }
0x2: {  	[smem:$0x3F92] =	sst lr;
	_ =	strace $0xD0000000  }
0x3: {  	_ = 	snop  }
0x4: {  	_ = 	snop  }
0x5: {  	_ = 	snop  }
0x6: {  	_ = 	snop  }
0x7: {  	_ = 	snop  }
__scs_overlays_trampoline_lowered:
0x8: {  	[smem:$0x3FA1] =	sst s0  }
0x9: {  	[smem:$0x3FA2] =	sst s1  }
0xa: {  	[smem:$0x3FA3] =	sst s2  }
0xb: {  	[smem:$0x3FA4] =	sst s3  }
0xc: {  	[smem:$0x3FA5] =	sst s4  }
0xd: {  	[smem:$0x3FA6] =	sst s5  }
0xe: {  	[smem:$0x3FA7] =	sst s6  }
0xf: {  	[smem:$0x3FA8] =	sst s7  }
0x10: {  	[smem:$0x3FA9] =	sst s8  }
0x11: {  	[smem:$0x3FAA] =	sst s9;
	s0 =	simm.s32 @!p0 $0x0  }
0x12: {  	s1 =	sld [smem:$0x3F90];
	s0 =	simm.s32 @p0 $0x1  }
0x13: {  	[smem:$0x3FAB] =	sst s0;
	s0 =	simm.s32 @!p1 $0x0  }
0x14: {  	s2 =	sld [smem:$0x3F8F];
	s0 =	simm.s32 @p1 $0x1  }
0x15: {  	[smem:$0x3FAC] =	sst s0;
	s0 =	simm.s32 @!p2 $0x0  }
0x16: {  	s3 =	sld [smem:$0x3FDB];
	s0 =	simm.s32 @p2 $0x1  }
0x17: {  	s4 =	simm.s32 $0x1BF5;
	[smem:$0x3FAE] =	sst s0  }
0x18: {  	s0 =	sld [smem:$0x3F91];
	_ =	swait.ge [sflag:s4], $0x0  }
0x19: {  	s7 =	sld [smem:$0x3F92]  }
0x1a: {  	s8 =	sadd.s32 $0xFFFFE003, lr  }
0x1b: {  	s9 =	sadd.s32 $0xFFFFFEF7, lr;
	s5 =	simm.s32 $0xFFFFFFFF;
	p2 =	slt.u32 s8, $0xFFFFF086  }
0x1c: {  	p1 =	slt.u32 s9, $0xF7A;
	s5 =	simm.s32 @!p2 $0x0  }
0x1d: {  	s5 =	simm.s32 @p1 $0x1;
	p0 =	seq.s32 s7, s2  }
0x1e: {  	s7 =	smul.u32 @!p0 $0xF7A, s2;
	p2 =	seq.s32 @!p0 s5, $0x0  }
0x1f: {  	s9 =	smul.u32 $0xF7A, s1;
	s8 =	simm.s32 @!p0 $0x1BF5;
	p2 =	por !p2, p0  }
0x20: {  	[sflag:s8] =	ssyncset.s32 @!p0 $0xFFFFF086;
	s6 =	sadd.s32 @!p0 s3, s7;
	s7 =	simm.s32 @!p0 $0x108  }
0x21: {  	s3 =	sadd.s32 s3, s9;
	s6 =	sadd.s32 @!p0 $0x88, s6;
	s7 =	simm.s32 @p2 $0x1082  }
0x22: {  	[simem:s7], [sflag:s8] =	dma.local @!p0 [hbm:s6], $0xF7A  }
0x23: {  	s9 =	sor.u32 $0xD0000000, s2;
	s6 =	simm.s32 $0x108;
	_ =	swait.ge @!p0 [sflag:s8], $0x0  }
0x24: {  	s3 =	sadd.s32 $0x88, s3;
	s6 =	simm.s32 @!p1 $0x1082;
	[sflag:s4] =	ssyncset.s32 $0xFFFFF086  }
0x25: {  	[simem:s6], [sflag:s4] =	dma.local [hbm:s3], $0xF7A  }
0x26: {  	[smem:$0x3F92] =	sst s1;
	(tag) =	ssettag s2;
	_ =	strace s9  }
0x27: {  	s1 =	sld [smem:$0x3FA2]  }
0x28: {  	s2 =	sld [smem:$0x3FA3]  }
0x29: {  	s4 =	sld [smem:$0x3FA5]  }
0x2a: {  	p0 =	seq.s32 s5, $0x0;
	s5 =	sld [smem:$0x3FA6]  }
0x2b: {  	s6 =	sld [smem:$0x3FA7]  }
0x2c: {  	s7 =	sld [smem:$0x3FA8]  }
0x2d: {  	s3 =	simm.s32 $0x108;
	s8 =	sld [smem:$0x3FA9]  }
0x2e: {  	s3 =	simm.s32 @!p0 $0x1082;
	s9 =	sld [smem:$0x3FAA]  }
0x2f: {  	lr =	sadd.s32 s0, s3;
	s0 =	sld [smem:$0x3FA1]  }
0x30: {  	s3 =	sld [smem:$0x3FA4]  }
0x31: {  	[smem:$0x3FAD] =	sst s10  }
0x32: {  	s10 =	sld [smem:$0x3FAB];
	_ =	sdelay $0x3  }
0x33: {  	p0 =	seq.s32 s10, $0x1;
	s10 =	sld [smem:$0x3FAD];
	_ =	sdelay $0x3  }
0x34: {  	[smem:$0x3FAD] =	sst s10  }
0x35: {  	s10 =	sld [smem:$0x3FAC];
	_ =	sdelay $0x3  }
0x36: {  	p1 =	seq.s32 s10, $0x1;
	s10 =	sld [smem:$0x3FAD];
	_ =	sdelay $0x3  }
0x37: {  	[smem:$0x3FAD] =	sst s10  }
0x38: {  	s10 =	sld [smem:$0x3FAE]  }
0x39: {  	_ = 	snop;
	(pc) =	sbr.ind lr, $3  }
0x3a: {  	_ = 	snop  }
0x3b: {  	_ = 	snop  }
0x3c: {  	p2 =	seq.s32 s10, $0x1;
	s10 =	sld [smem:$0x3FAD]  }
0x3d: {  	_ =	shalt  }
0x3e: {  	_ =	shalt  }
0x3f: {  	_ =	shalt  }
0x40: {  	_ =	shalt  }
0x41: {  	_ =	shalt  }
0x42: {  	_ =	shalt  }
0x43: {  	_ =	shalt  }
0x44: {  	_ =	shalt  }
0x45: {  	_ =	shalt  }
0x46: {  	_ =	shalt  }
0x47: {  	_ =	shalt  }
0x48: {  	_ =	shalt  }
0x49: {  	_ =	shalt  }
0x4a: {  	_ =	shalt  }
0x4b: {  	_ =	shalt  }
0x4c: {  	_ =	shalt  }
0x4d: {  	_ =	shalt  }
0x4e: {  	_ =	shalt  }
0x4f: {  	_ =	shalt  }
0x50: {  	_ =	shalt  }
0x51: {  	_ =	shalt  }
0x52: {  	_ =	shalt  }
0x53: {  	_ =	shalt  }
0x54: {  	_ =	shalt  }
0x55: {  	_ =	shalt  }
0x56: {  	_ =	shalt  }
0x57: {  	_ =	shalt  }
0x58: {  	_ =	shalt  }
0x59: {  	_ =	shalt  }
0x5a: {  	_ =	shalt  }
0x5b: {  	_ =	shalt  }
0x5c: {  	_ =	shalt  }
0x5d: {  	_ =	shalt  }
0x5e: {  	_ =	shalt  }
0x5f: {  	_ =	shalt  }
0x60: {  	_ =	shalt  }
0x61: {  	_ =	shalt  }
0x62: {  	_ =	shalt  }
0x63: {  	_ =	shalt  }
0x64: {  	_ =	shalt  }
0x65: {  	_ =	shalt  }
0x66: {  	_ =	shalt  }
0x67: {  	_ =	shalt  }
0x68: {  	_ =	shalt  }
0x69: {  	_ =	shalt  }
0x6a: {  	_ =	shalt  }
0x6b: {  	_ =	shalt  }
0x6c: {  	_ =	shalt  }
0x6d: {  	_ =	shalt  }
0x6e: {  	_ =	shalt  }
0x6f: {  	_ =	shalt  }
0x70: {  	_ =	shalt  }
0x71: {  	_ =	shalt  }
0x72: {  	_ =	shalt  }
0x73: {  	_ =	shalt  }
0x74: {  	_ =	shalt  }
0x75: {  	_ =	shalt  }
0x76: {  	_ =	shalt  }
0x77: {  	_ =	shalt  }
0x78: {  	_ =	shalt  }
0x79: {  	_ =	shalt  }
0x7a: {  	_ =	shalt  }
0x7b: {  	_ =	shalt  }
0x7c: {  	_ =	shalt  }
0x7d: {  	_ =	shalt  }
0x7e: {  	_ =	shalt  }
0x7f: {  	_ =	shalt  }
0x80: {  	_ =	shalt  }
0x81: {  	_ =	shalt  }
0x82: {  	_ =	shalt  }
0x83: {  	_ =	shalt  }
0x84: {  	_ =	shalt  }
0x85: {  	_ =	shalt  }
0x86: {  	_ =	shalt  }
0x87: {  	_ =	shalt  }
.Lfunc_end0:
.L_simem_size_0:
called_computation_lowered:
.L_overlay_start_0:
0x88: {  	s2 =	sld [smem:$0x3FD9]  }
0x89: {  	s3 =	sld [smem:$0x3FFE];
	_ =	sdelay $0x1  }
0x8a: {  	s1 =	srdreg.scid  }
0x8b: {  	s0 =	sand.u32 $0x1, s1  }
0x8c: {  	s16 =	sshll.u32 s0, $0xA;
	s2 =	sadd.s32 s3, s2  }
0x8d: {  	s2 =	sadd.s32 s2, s16  }
0x8e: {  	[smem:$0x3FB9] =	sst s2  }
0x8f: {  	_ = 	snop  }
0x90: {  	(tm) =	ssettm $0x1  }
0x91: {  	s17 =	sld [smem:$0x3FFB];
	_ =	sdelay $0x3  }
0x92: {  	_ =	strace s17  }
0x93: {  	s2 =	sld [smem:$0x3FFC];
	_ =	sdelay $0x3  }
0x94: {  	_ =	strace s2  }
0x95: {  	s2 =	sld [smem:$0x3FFD];
	_ =	sdelay $0x3  }
0x96: {  	_ =	strace s2  }
0x97: {  	_ =	strace $0x8FFFFFFF  }
0x98: {  	s18 =	sld [smem:$0x3FDB];
	_ =	sdelay $0x1  }
0x99: {  	s19 =	simm.s32 $_scs_section_size  }
0x9a: {  	s4 =	simm.s32 $_size__tile_overlayer_lowered;
	s5 =	simm.s32 $_tile_overlayer_lowered  }
0x9b: {  	s22 =	simm.s32 $0x1BFF;
	s21 =	sshll.u32 s5, $0x1;
	s2 =	sadd.s32 s19, s18  }
0x9c: {  	s6 =	simm.s32 $0x0;
	s20 =	sshll.u32 s4, $0x1;
	s4 =	sadd.s32 s21, s2  }
0x9d: {  	[timem:s6], [sflag:s22] =	dma.local [hbm:s4], s20  }
0x9e: {  	_ =	swait.ge [sflag:s22], s20  }
0x9f: {  	s3 =	ssub.s32 $0x0, s20;
	[sflag:s22] =	ssyncset.done $0x0  }
0xa0: {  	[sflag:s22] =	ssyncadd.s32 s3;
	_ =	sdelay $0x1  }
0xa1: {  	s23 =	simm.s32 $0x1B8B  }
0xa2: {  	_ =	swait.ge [sflag:s23], $0x1  }
0xa3: {  	[sflag:s23] =	ssyncset.done $0x0  }
0xa4: {  	s25 =	simm.s32 $0x1B8E;
	s24 =	sld [smem:$0x3FFE];
	[sflag:s23] =	ssyncadd.s32 $0xFFFFFFFF  }
0xa5: {  	s26 =	simm.s32 $execute0_lowered;
	[smem:$0x3FD2] =	sst s25  }
0xa6: {  	s4 =	sshll.u32 s26, $0x1;
	_ =	strace $0x80000046;
	[dreg:$0x1] =	wrdreg $0xFFFFFFFF  }
0xa7: {  	s28 =	simm.s32 $_size_execute0_lowered;
	s2 =	sadd.s32 s2, s4;
	[dreg:$0x0] =	wrdreg $0x0  }
0xa8: {  	s4 =	sshll.u32 s28, $0x1;
	[dreg:$0x2] =	wrdreg s2  }
0xa9: {  	[dreg:$0x3] =	wrdreg s4  }
0xaa: {  	[dreg:$0x4] =	wrdreg $0xC0  }
0xab: {  	_ =	task [dreg:s6], $0x5FFFF  }
0xac: {  	[dreg:$0x1] =	wrdreg $0xFFFFFFFF  }
0xad: {  	[dreg:$0x0] =	wrdreg $0x60  }
0xae: {  	[dreg:$0x2] =	wrdreg s24  }
0xaf: {  	[dreg:$0x3] =	wrdreg $0x19F000  }
0xb0: {  	[dreg:$0x4] =	wrdreg $0x9  }
0xb1: {  	_ =	task.clear_ibuf [dreg:s6], $0x5FFFF;
	_ =	strace $0x90000046  }
0xb2: {  	s29 =	simm.s32 $0x9;
	_ =	strace $0x80000048  }
0xb3: {  	_ =	swait.ge [sflag:s29], $0x1  }
0xb4: {  	[sflag:s29] =	ssyncadd.s32 $0xFFFFFFFF  }
0xb5: {  	_ =	strace $0x90000048  }
0xb6: {  	_ =	sfence  }
0xb7: {  	s30 =	sld [smem:$0x0];
	_ =	sdelay $0x2  }
0xb8: {  	s31 =	sshll.u32 s1, $0xD;
	s1 =	sshrl.u32 s1, $0x2  }
0xb9: {  	s3 =	sand.u32 $0x4000, s31;
	s1 =	sadd.s32 s1, s30  }
0xba: {  	s0 =	sor.u32 s3, s0;
	s1 =	sshll.u32 s1, $0x11  }
0xbb: {  	s0 =	sor.u32 s1, s0  }
0xbc: {  	s0 =	sadd.s32 $0x8F2B, s0  }
0xbd: {  	[sflag:s0] =	ssyncadd.remote.s32 $0x1  }
0xbe: {  	_ =	sfence.sel $0xFFFF  }
0xbf: {  	[dreg:$0x0] =	wrdreg $0xFFFFFFFF;
	(pc) =	sbr.abs _section_cstart, $3  }
0xc0: {  	[dreg:$0x1] =	wrdreg $0xFFFFFFFF  }
0xc1: {  	_ =	task.clear_ibuf [dreg:s6], $0x2FFFF;
	_ =	strace $0x9FFFFFFF  }
0xc2: {  	(tm) =	ssettm $0x7FFFFFFF  }
0xc3: {  	_ =	shalt  }
tec
execute0_lowered:
.L_overlay_start_1:
0x0: {  	(tag) =	ssettag $0x1  }
0x1: {  	s6 =	rddreg [dreg:$0x0]  }
0x2: {  	s0 =	srdreg.scid;
	s2 =	rddreg [dreg:$0x1];
	s3 =	simm.s32 $0x0  }
0x3: {  	s12 =	simm.s32 $0x2;
	s13 =	simm.s32 $0x2780;
	s14 =	simm.s32 $0x80  }
0x4: {  	s15 =	simm.s32 $0x1;
	s5 =	sand.u32 $0x1, s0;
	s0 =	stileid.u32  }
0x5: {  	s16 =	simm.s32 $0x0;
	[smem:$0x7FF] =	sst s3;
	s7 =	smul.u32 $0x1400, s0  }
0x6: {  	s1 =	sshll.u32 s5, $0x4;
	s8 =	smul.u32 $0x14000, s5;
	s10 =	ssub.s32 $0x2, s5  }
0x7: {  	s5 =	sadd.s32 $0x17E00, s6;
	s1 =	sor.u32 s0, s1;
	s31 =	sshrl.u32 s10, $0x1  }
0x8: {  	s4 =	smul.u32 $0x4F0, s1;
	s1 =	rddreg [dreg:$0x2];
	s8 =	sadd.s32 s7, s8  }
0x9: {  	_ =	strace $0x80000047;
	s10 =	ssub.s32 s10, s31;
	s8 =	sshrl.u32 s8, $0x3  }
0xa: {  	s10 =	smax.u32 s10, $0x1;
	s9 =	sadd.s32 s4, s6;
	s4 =	sadd.s32 $0x1A00, s6  }
0xb: {  	s11 =	sadd.s32 s8, s6;
	s6 =	sadd.s32 s7, s2;
	s7 =	sadd.s32 $0x4200, s9  }
0xc: {  	s8 =	sadd.s32 $0xE000, s9;
	s9 =	sadd.s32 $0x18200, s11;
	s11 =	simm.s32 $0x18B00  }
.LBB2_1:
0xd: {  	[tilespmem:s11], [sflag:$0x2] =	stream.linear.gather [hbm4b:s5+s3], $0x1400, $0x38;
	[tilespmem:$0x1B300] =	vst v63  }
0xe: {  	_ =	swait.ge [sflag:s12], $0x1400  }
0xf: {  	[sflag:s12] =	ssyncset.done $0x0  }
0x10: {  	[sflag:s12] =	ssyncadd.s32 $0xFFFFEC00  }
0x11: {  	[spmem:s6] =	stream.linear.scatter [tilespmem:s11], [sflag:$0x2], $0x1400, $0x38;
	[tilespmem:$0x1B300] =	vst v63  }
0x12: {  	_ =	swait.ge [sflag:s12], $0x1400  }
0x13: {  	[sflag:s12] =	ssyncset.done $0x0  }
0x14: {  	[sflag:s12] =	ssyncadd.s32 $0xFFFFEC00  }
0x15: {  	[tilespmem:s3], [sflag:$0x2] =	stream.linear.gather [hbm4b:s7+s3], $0x2780, $0x38;
	[tilespmem:$0x1B300] =	vst v63  }
0x16: {  	_ =	swait.ge [sflag:s12], $0x2780  }
0x17: {  	[sflag:s12] =	ssyncset.done $0x0  }
0x18: {  	[sflag:s12] =	ssyncadd.s32 $0xFFFFD880  }
0x19: {  	[tilespmem:s13], [sflag:$0x2] =	stream.linear.gather [hbm4b:s8+s3], $0x2780, $0x38;
	[tilespmem:$0x1B300] =	vst v63  }
0x1a: {  	_ =	swait.ge [sflag:s12], $0x2780  }
0x1b: {  	[sflag:s12] =	ssyncset.done $0x0  }
0x1c: {  	s17 =	simm.s32 $0x4F00;
	s18 =	simm.s32 $0x0;
	[sflag:s12] =	ssyncadd.s32 $0xFFFFD880  }
.LBB2_2:
0x1d: {  	p0 =	sne.s32 s18, $0x9C00  }
.Ltmp0:
0x1e: {  	_ = 	snop;
	(pc) =	sbr.rel @p0 .LBB2_2-.Ltmp0, $4  }
0x1f: {  	_ = 	snop  }
0x20: {  	s19 =	sshra.s32 s18, $0x2  }
0x21: {  	[tilespmem:s17], [sflag:$0x1] =	stream.indirect.gather [hbm4b:s4+s14], $0x8, s19, s14, $0xb8;
	[tilespmem:$0x1B300] =	vst v63  }
0x22: {  	s18 =	sadd.s32 $0x200, s18;
	s17 =	sadd.s32 $0x400, s17  }
0x23: {  	_ =	swait.ge [sflag:s15], $0x400  }
0x24: {  	s17 =	simm.s32 $0x4E;
	[sflag:s15] =	ssyncset.done $0x0  }
.LBB2_4:
0x25: {  	p0 =	sne.s32 s17, $0x1;
	s17 =	sadd.s32 $0xFFFFFFFF, s17;
	[sflag:s15] =	ssyncadd.s32 $0xFFFFFC00  }
.Ltmp1:
0x26: {  	(pc) =	sbr.rel @p0 .LBB2_4-.Ltmp1, $3  }
0x27: {  	_ =	sdelay $0x1  }
0x28: {  	_ =	swait.ge [sflag:s15], $0x400  }
0x29: {  	[sflag:s15] =	ssyncset.done $0x0  }
0x2a: {  	[sflag:s15] =	ssyncadd.s32 $0xFFFFFC00  }
0x2b: {  	s17 =	simm.s32 $0x0;
	s18 =	simm.s32 $0x4F00;
	[bflag:$0x0] =	sbarrier.arrive $0xFFFF  }
.LBB2_6:
0x2c: {  	p0 =	sne.s32 s17, $0x9C00  }
.Ltmp2:
0x2d: {  	_ = 	snop;
	(pc) =	sbr.rel @p0 .LBB2_6-.Ltmp2, $4  }
0x2e: {  	s19 =	sshra.s32 s17, $0x2  }
0x2f: {  	s19 =	sadd.s32 $0x2780, s19  }
0x30: {  	[spmem:s2] =	stream.indirect.scatter.add.f32 [tilespmem:s18], [sflag:$0x1], $0x8, s19, s14, $0xb8;
	[tilespmem:$0x1B300] =	vst v63  }
0x31: {  	s17 =	sadd.s32 $0x200, s17;
	s18 =	sadd.s32 $0x400, s18  }
0x32: {  	_ =	swait.ge [sflag:s15], $0x400  }
0x33: {  	s17 =	simm.s32 $0x4E;
	[sflag:s15] =	ssyncset.done $0x0  }
.LBB2_8:
0x34: {  	p0 =	sne.s32 s17, $0x1;
	s17 =	sadd.s32 $0xFFFFFFFF, s17;
	[sflag:s15] =	ssyncadd.s32 $0xFFFFFC00  }
.Ltmp3:
0x35: {  	(pc) =	sbr.rel @p0 .LBB2_8-.Ltmp3, $3  }
0x36: {  	_ =	sdelay $0x1  }
0x37: {  	_ =	swait.ge [sflag:s15], $0x400  }
0x38: {  	[sflag:s15] =	ssyncset.done $0x0  }
0x39: {  	[sflag:s15] =	ssyncadd.s32 $0xFFFFFC00  }
0x3a: {  	[bflag:$0x0] =	sbarrier.arrive $0xFFFF  }
0x3b: {  	[tilespmem:s11], [sflag:$0x2] =	stream.linear.gather [spmem:s6], $0x1400, $0x38;
	[tilespmem:$0x1B300] =	vst v63  }
0x3c: {  	s16 =	sadd.s32 $0x1, s16;
	_ =	swait.ge [sflag:s12], $0x1400  }
0x3d: {  	p0 =	sne.s32 s16, s10;
	[sflag:s12] =	ssyncset.done $0x0  }
.Ltmp4:
0x3e: {  	[sflag:s12] =	ssyncadd.s32 $0xFFFFEC00;
	(pc) =	sbr.rel @p0 .LBB2_1-.Ltmp4, $4  }
0x3f: {  	[hbm4b:s9+s3] =	stream.linear.scatter [tilespmem:s11], [sflag:$0x2], $0x1400, $0x38;
	[tilespmem:$0x1B300] =	vst v63  }
0x40: {  	_ =	swait.ge [sflag:s12], $0x1400  }
0x41: {  	[sflag:s12] =	ssyncset.done $0x0  }
0x42: {  	[sflag:s12] =	ssyncadd.s32 $0xFFFFEC00  }
0x43: {  	_ =	sfence.sel $0x180000  }
0x44: {  	[bflag:$0x0] =	sbarrier.arrive $0xFFFF  }
0x45: {  	p0 =	sne.s32 s0, $0x0;
	_ =	strace $0x90000047  }
0x46: {  	s0 =	sadd.s32 @!p0 $0x100000, s1;
	[bflag:$0x2] =	sbarrier.arrive $0xFFFF  }
0x47: {  	[sflag:s0] =	ssyncadd.tile.s32 @!p0 $0x1;
	_ =	shalt  }
.Lfunc_end2:
_tile_overlayer_lowered:
.L_overlay_start_2:
0x48: {  	(tag) =	ssettag $0x2  }
0x49: {  	s0 =	rddreg [dreg:$0x0];
	s2 =	stileid.u32  }
0x4a: {  	s1 =	rddreg [dreg:$0x1];
	p0 =	sne.s32 s2, $0x0  }
0x4b: {  	s3 =	rddreg [dreg:$0x2];
	[bflag:$0x3] =	sbarrier.arrive $0xFFFF;
	s2 =	simm.s32 @!p0 $0x1C02  }
0x4c: {  	[timem:s3], [sflag:s2] =	dma.local @!p0 [hbm:s0], s1  }
0x4d: {  	s0 =	simm.s32 @!p0 $0x2  }
0x4e: {  	_ =	swait.ge @!p0 [sflag:s0], s1  }
0x4f: {  	s1 =	ssub.s32 @!p0 $0x0, s1;
	[sflag:s0] =	ssyncset.done @!p0 $0x0  }
0x50: {  	[sflag:s0] =	ssyncadd.s32 @!p0 s1  }
0x51: {  	[bflag:$0x3] =	sbarrier.arrive $0xFFFF  }
0x52: {  	_ =	shalt  }

</sc_bundles>
